<compile_context>
chip_gen: v7x
topology: tpu7x:2x2x1
jax: 0.10.2.dev20260603
libtpu: 0.0.44.dev20260713+nightly
codegen_flags: <defaults>
</compile_context>

<pallas_src>
import functools

import jax
import jax.numpy as jnp
from jax import lax
from jax.experimental import pallas as pl
from jax.experimental.pallas import tpu as pltpu
from jax.experimental.pallas import tpu_sc as plsc

N = 10000
D = 128
NE = 320000
NC = 2
NS = 16
NW = NC * NS
EB = 128
NB = 80
NE_PAD = NW * NB * EB
PAD = NE_PAD - NE
TRASH = 112
ACC_ROWS = N + TRASH
CH = ACC_ROWS // NS

_MESH = plsc.VectorSubcoreMesh(core_axis_name="c", subcore_axis_name="s")



@functools.partial(
    pl.kernel,
    mesh=_MESH,
    out_type=jax.ShapeDtypeStruct((NC * ACC_ROWS,), jnp.float32),
    scratch_types=[
        pltpu.VMEM((NB, EB), jnp.int32),
        pltpu.VMEM((EB,), jnp.float32),
        pltpu.VMEM((640,), jnp.float32),
        pltpu.VMEM_SHARED((ACC_ROWS,), jnp.float32),
    ],
)
def _sc_hist(dst_hbm, out_hbm, dst_v, ones_v, stage_v, acc):
    c = lax.axis_index("c")
    s = lax.axis_index("s")
    w = c * NS + s
    off = pl.multiple_of(s * CH, 8)
    for i in range(640 // 16):
        stage_v[pl.ds(i * 16, 16)] = jnp.zeros((16,), jnp.float32)
    pltpu.sync_copy(stage_v.at[pl.ds(0, CH)], acc.at[pl.ds(off, CH)])
    for i in range(EB // 16):
        ones_v[pl.ds(i * 16, 16)] = jnp.ones((16,), jnp.float32)
    pltpu.sync_copy(dst_hbm.at[w], dst_v)
    plsc.subcore_barrier()

    def body(j, carry):
        pltpu.sync_copy(ones_v, acc.at[dst_v.at[j]], add=True)
        return carry

    lax.fori_loop(0, NB, body, 0)
    plsc.subcore_barrier()
    out_off = pl.multiple_of(c * ACC_ROWS + s * CH, 8)
    pltpu.sync_copy(acc.at[pl.ds(off, CH)], stage_v.at[pl.ds(0, CH)])
    pltpu.sync_copy(stage_v.at[pl.ds(0, CH)], out_hbm.at[pl.ds(out_off, CH)])



NBC = 40
NCH = NB // NBC


@functools.partial(
    pl.kernel,
    mesh=_MESH,
    out_type=jax.ShapeDtypeStruct((NC, ACC_ROWS, D), jnp.float32),
    scratch_types=[
        pltpu.VMEM((NBC, EB), jnp.int32),
        pltpu.VMEM((NBC, EB), jnp.int32),
        pltpu.VMEM((EB, D), jnp.float32),
        pltpu.VMEM((EB, D), jnp.float32),
        pltpu.VMEM_SHARED((ACC_ROWS, D), jnp.float32),
        pltpu.SemaphoreType.DMA,
        pltpu.SemaphoreType.DMA,
    ],
)
def _sc_scatter(g_hbm, src_hbm, dst_hbm, zeros_hbm, out_hbm,
                src_v, dst_v, rows0, rows1, acc, sem0, sem1):
    c = lax.axis_index("c")
    s = lax.axis_index("s")
    w = c * NS + s
    off = pl.multiple_of(s * CH, 8)
    @pl.when(c == 0)
    def _():
        pltpu.sync_copy(g_hbm.at[pl.ds(off, CH)], acc.at[pl.ds(off, CH)])

    @pl.when(c != 0)
    def _():
        pltpu.sync_copy(zeros_hbm, acc.at[pl.ds(off, CH)])

    plsc.subcore_barrier()

    for k in range(NCH):
        k0 = k * NBC
        pltpu.sync_copy(src_hbm.at[w, pl.ds(k0, NBC)], src_v)
        pltpu.sync_copy(dst_hbm.at[w, pl.ds(k0, NBC)], dst_v)
        pltpu.async_copy(g_hbm.at[src_v.at[0]], rows0, sem0)

        def body(i, carry):
            j0 = i * 2
            pltpu.async_copy(g_hbm.at[src_v.at[j0 + 1]], rows1, sem1)
            pltpu.make_async_copy(g_hbm.at[src_v.at[j0]], rows0, sem0).wait()
            pltpu.sync_copy(rows0, acc.at[dst_v.at[j0]], add=True)

            @pl.when(j0 + 2 < NBC)
            def _():
                pltpu.async_copy(g_hbm.at[src_v.at[j0 + 2]], rows0, sem0)

            pltpu.make_async_copy(g_hbm.at[src_v.at[j0 + 1]], rows1, sem1).wait()
            pltpu.sync_copy(rows1, acc.at[dst_v.at[j0 + 1]], add=True)
            return carry

        lax.fori_loop(0, NBC // 2, body, 0)

    plsc.subcore_barrier()
    pltpu.sync_copy(acc.at[pl.ds(off, CH)], out_hbm.at[c, pl.ds(off, CH)])



_R = 632


def _tc1_body(x_ref, w_ref, d_ref, o_ref):
    dis = lax.rsqrt(d_ref[...] + 1.0)
    o_ref[...] = jnp.dot(x_ref[...], w_ref[...],
                         preferred_element_type=jnp.float32) * dis


def _tc_mid_body(p0_ref, p1_ref, d_ref, b_ref, w_ref, a_ref, g_ref):
    dis = lax.rsqrt(d_ref[...] + 1.0)
    a = (p0_ref[...] + p1_ref[...]) * dis + b_ref[...]
    a_ref[...] = a
    g_ref[...] = jnp.dot(jnp.maximum(a, 0.0), w_ref[...],
                         preferred_element_type=jnp.float32) * dis


_ROWS = pl.BlockSpec((_R, D), lambda i: (i, 0))
_COL = pl.BlockSpec((_R, 1), lambda i: (i, 0))
_WMAT = pl.BlockSpec((D, D), lambda i: (0, 0))
_BIAS = pl.BlockSpec((1, D), lambda i: (0, 0))
_OUTP = jax.ShapeDtypeStruct((ACC_ROWS, D), jnp.float32)

_tc1 = pl.pallas_call(_tc1_body, grid=(ACC_ROWS // _R,),
                      in_specs=[_ROWS, _WMAT, _COL],
                      out_specs=_ROWS, out_shape=_OUTP)
_tc_mid = pl.pallas_call(_tc_mid_body, grid=(ACC_ROWS // _R,),
                         in_specs=[_ROWS, _ROWS, _COL, _BIAS, _WMAT],
                         out_specs=(_ROWS, _ROWS), out_shape=(_OUTP, _OUTP))


def kernel(x, edge_index, W1, b1, W2, b2):
    src = edge_index[0].astype(jnp.int32)
    dst = edge_index[1].astype(jnp.int32)
    pad_ar = jnp.arange(PAD, dtype=jnp.int32)
    src_p = jnp.concatenate([src, pad_ar % N]).reshape(NW, NB, EB)
    dst_p = jnp.concatenate([dst, N + pad_ar % TRASH]).reshape(NW, NB, EB)
    zeros2 = jnp.zeros((CH, D), jnp.float32)
    x_pad = jnp.pad(x, ((0, TRASH), (0, 0)))

    hist = _sc_hist(dst_p).reshape(NC, ACC_ROWS)
    deg = (hist[0] + hist[1]).reshape(ACC_ROWS, 1)

    g1 = _tc1(x_pad, W1, deg)

    ws = jnp.stack([W2, jnp.zeros_like(W2)])
    bs = jnp.stack([b1.reshape(1, D), b2.reshape(1, D)])

    def layer(g, wb):
        w, b = wb
        p = _sc_scatter(g, src_p, dst_p, zeros2)
        a, g_next = _tc_mid(p[0], p[1], deg, b, w)
        return g_next, a

    _, outs = lax.scan(layer, g1, (ws, bs))
    return outs[1, :N]

# --- scband reference (transcript-rebuilt; emitter-appended) ---
"""Pipeline reference for scband-gcn-66597762891973 (READ-ONLY COPY).

The authoritative reference and input builder live on the scoring server;
editing this copy changes nothing except your own understanding.
"""

import jax, jax.numpy as jnp
import numpy as np

NUM_NODES = 10000
HIDDEN_DIM = 128
NUM_EDGES = 320000


def gcn_conv(x, edge_index, W, b, num_nodes):
    # Faithful PyG GCNConv: add self-loops, symmetric normalization, linear, scatter-add, bias
    src = edge_index[0]
    dst = edge_index[1]
    loop = jnp.arange(num_nodes, dtype=src.dtype)
    src = jnp.concatenate([src, loop])
    dst = jnp.concatenate([dst, loop])
    deg = jnp.zeros((num_nodes,), dtype=x.dtype).at[dst].add(1.0)
    deg_inv_sqrt = jnp.where(deg > 0, 1.0 / jnp.sqrt(deg), 0.0)
    norm = deg_inv_sqrt[src] * deg_inv_sqrt[dst]
    h = x @ W
    msg = h[src] * norm[:, None]
    out = jnp.zeros((num_nodes, h.shape[1]), dtype=x.dtype).at[dst].add(msg)
    return out + b


def setup_inputs(seed: int = 0) -> dict:
    key = jax.random.key(seed)
    k1, k2, k3, k4, k5 = jax.random.split(key, 5)
    x = jax.random.normal(k1, (NUM_NODES, HIDDEN_DIM), dtype=jnp.float32)
    edge_index = jax.random.randint(k2, (2, NUM_EDGES), 0, NUM_NODES, dtype=jnp.int64)
    # Glorot-style init for GCNConv weights, zero bias (PyG default)
    scale = 1.0 / np.sqrt(HIDDEN_DIM)
    W1 = jax.random.uniform(k3, (HIDDEN_DIM, HIDDEN_DIM), dtype=jnp.float32, minval=-scale, maxval=scale)
    b1 = jnp.zeros((HIDDEN_DIM,), dtype=jnp.float32)
    W2 = jax.random.uniform(k4, (HIDDEN_DIM, HIDDEN_DIM), dtype=jnp.float32, minval=-scale, maxval=scale)
    b2 = jnp.zeros((HIDDEN_DIM,), dtype=jnp.float32)
    return {"x": x, "edge_index": edge_index, "W1": W1, "b1": b1, "W2": W2, "b2": b2}


def reference(x, edge_index, W1, b1, W2, b2):
    # GCN.encode: (randn x is externalized for determinism)
    h = gcn_conv(x, edge_index, W1, b1, NUM_NODES)
    h = jax.nn.relu(h)
    z = gcn_conv(h, edge_index, W2, b2, NUM_NODES)
    return z

if __name__ == "__main__":
    import jax
    _d = setup_inputs()
    print(jax.jit(kernel)(*tuple(_d.values())))

</pallas_src>

<mosaic_0001>
#map = affine_map<(d0, d1) -> (0, 0, 0)>
#map1 = affine_map<(d0, d1) -> (0)>
module attributes {stable_mosaic.version = 14 : i64} {
  func.func @_sc_hist(%arg0: i32, %arg1: i32, %arg2: memref<32x80x128xi32, #tpu.memory_space<hbm>>, %arg3: memref<20224xf32, #tpu.memory_space<hbm>>, %arg4: memref<80x128xi32, #tpu.memory_space<vmem>>, %arg5: memref<128xf32, #tpu.memory_space<vmem>>, %arg6: memref<640xf32, #tpu.memory_space<vmem>>, %arg7: memref<10112xf32, #tpu.memory_space<vmem_shared>>) attributes {dimension_semantics = [#tpu.dimension_semantics<core_parallel>, #tpu.dimension_semantics<subcore_parallel>], iteration_bounds = array<i64: 2, 16>, scalar_prefetch = 0 : i64, scratch_operands = 4 : i64, tpu.core_type = #tpu.core_type<sc_vector_subcore>, window_params = [{transform_indices = #map}, {transform_indices = #map1}]} {
    %mul3A = arith.constant 16 : i32
    %mul3A_0 = arith.muli %arg0, %mul3A : i32
    %add3A = arith.addi %mul3A_0, %arg1 : i32
    %mul3A_1 = arith.constant 632 : i32
    %mul3A_2 = arith.muli %arg1, %mul3A_1 : i32
    %multiple_of3A = tpu.assume_multiple %mul3A_2, 8 : i32
    %broadcast_in_dim3A = arith.constant 0.000000e+00 : f32
    %broadcast_in_dim3A_3 = vector.broadcast %broadcast_in_dim3A : f32 to vector<16xf32>
    %swap3A = arith.constant 0 : index
    %swap3A_4 = tpu.vector_load %arg6[%swap3A] {strides = array<i32>} : memref<640xf32, #tpu.memory_space<vmem>>, vector<16xf32>,
    %swap3A_5 = vector.shape_cast %swap3A_4 : vector<16xf32> to vector<16xf32>
    %swap3A_6 = vector.shape_cast %broadcast_in_dim3A_3 : vector<16xf32> to vector<16xf32>
    tpu.vector_store %arg6[%swap3A], %swap3A_6 {strides = array<i32>} : memref<640xf32, #tpu.memory_space<vmem>>, vector<16xf32>,
    %broadcast_in_dim3A_7 = arith.constant 0.000000e+00 : f32
    %broadcast_in_dim3A_8 = vector.broadcast %broadcast_in_dim3A_7 : f32 to vector<16xf32>
    %swap3A_9 = arith.constant 16 : index
    %swap3A_10 = tpu.vector_load %arg6[%swap3A_9] {strides = array<i32>} : memref<640xf32, #tpu.memory_space<vmem>>, vector<16xf32>,
    %swap3A_11 = vector.shape_cast %swap3A_10 : vector<16xf32> to vector<16xf32>
    %swap3A_12 = vector.shape_cast %broadcast_in_dim3A_8 : vector<16xf32> to vector<16xf32>
    tpu.vector_store %arg6[%swap3A_9], %swap3A_12 {strides = array<i32>} : memref<640xf32, #tpu.memory_space<vmem>>, vector<16xf32>,
    %broadcast_in_dim3A_13 = arith.constant 0.000000e+00 : f32
    %broadcast_in_dim3A_14 = vector.broadcast %broadcast_in_dim3A_13 : f32 to vector<16xf32>
    %swap3A_15 = arith.constant 32 : index
    %swap3A_16 = tpu.vector_load %arg6[%swap3A_15] {strides = array<i32>} : memref<640xf32, #tpu.memory_space<vmem>>, vector<16xf32>,
    %swap3A_17 = vector.shape_cast %swap3A_16 : vector<16xf32> to vector<16xf32>
    %swap3A_18 = vector.shape_cast %broadcast_in_dim3A_14 : vector<16xf32> to vector<16xf32>
    tpu.vector_store %arg6[%swap3A_15], %swap3A_18 {strides = array<i32>} : memref<640xf32, #tpu.memory_space<vmem>>, vector<16xf32>,
    %broadcast_in_dim3A_19 = arith.constant 0.000000e+00 : f32
    %broadcast_in_dim3A_20 = vector.broadcast %broadcast_in_dim3A_19 : f32 to vector<16xf32>
    %swap3A_21 = arith.constant 48 : index
    %swap3A_22 = tpu.vector_load %arg6[%swap3A_21] {strides = array<i32>} : memref<640xf32, #tpu.memory_space<vmem>>, vector<16xf32>,
    %swap3A_23 = vector.shape_cast %swap3A_22 : vector<16xf32> to vector<16xf32>
    %swap3A_24 = vector.shape_cast %broadcast_in_dim3A_20 : vector<16xf32> to vector<16xf32>
    tpu.vector_store %arg6[%swap3A_21], %swap3A_24 {strides = array<i32>} : memref<640xf32, #tpu.memory_space<vmem>>, vector<16xf32>,
    %broadcast_in_dim3A_25 = arith.constant 0.000000e+00 : f32
    %broadcast_in_dim3A_26 = vector.broadcast %broadcast_in_dim3A_25 : f32 to vector<16xf32>
    %swap3A_27 = arith.constant 64 : index
    %swap3A_28 = tpu.vector_load %arg6[%swap3A_27] {strides = array<i32>} : memref<640xf32, #tpu.memory_space<vmem>>, vector<16xf32>,
    %swap3A_29 = vector.shape_cast %swap3A_28 : vector<16xf32> to vector<16xf32>
    %swap3A_30 = vector.shape_cast %broadcast_in_dim3A_26 : vector<16xf32> to vector<16xf32>
    tpu.vector_store %arg6[%swap3A_27], %swap3A_30 {strides = array<i32>} : memref<640xf32, #tpu.memory_space<vmem>>, vector<16xf32>,
    %broadcast_in_dim3A_31 = arith.constant 0.000000e+00 : f32
    %broadcast_in_dim3A_32 = vector.broadcast %broadcast_in_dim3A_31 : f32 to vector<16xf32>
    %swap3A_33 = arith.constant 80 : index
    %swap3A_34 = tpu.vector_load %arg6[%swap3A_33] {strides = array<i32>} : memref<640xf32, #tpu.memory_space<vmem>>, vector<16xf32>,
    %swap3A_35 = vector.shape_cast %swap3A_34 : vector<16xf32> to vector<16xf32>
    %swap3A_36 = vector.shape_cast %broadcast_in_dim3A_32 : vector<16xf32> to vector<16xf32>
    tpu.vector_store %arg6[%swap3A_33], %swap3A_36 {strides = array<i32>} : memref<640xf32, #tpu.memory_space<vmem>>, vector<16xf32>,
    %broadcast_in_dim3A_37 = arith.constant 0.000000e+00 : f32
    %broadcast_in_dim3A_38 = vector.broadcast %broadcast_in_dim3A_37 : f32 to vector<16xf32>
    %swap3A_39 = arith.constant 96 : index
    %swap3A_40 = tpu.vector_load %arg6[%swap3A_39] {strides = array<i32>} : memref<640xf32, #tpu.memory_space<vmem>>, vector<16xf32>,
    %swap3A_41 = vector.shape_cast %swap3A_40 : vector<16xf32> to vector<16xf32>
    %swap3A_42 = vector.shape_cast %broadcast_in_dim3A_38 : vector<16xf32> to vector<16xf32>
    tpu.vector_store %arg6[%swap3A_39], %swap3A_42 {strides = array<i32>} : memref<640xf32, #tpu.memory_space<vmem>>, vector<16xf32>,
    %broadcast_in_dim3A_43 = arith.constant 0.000000e+00 : f32
    %broadcast_in_dim3A_44 = vector.broadcast %broadcast_in_dim3A_43 : f32 to vector<16xf32>
    %swap3A_45 = arith.constant 112 : index
    %swap3A_46 = tpu.vector_load %arg6[%swap3A_45] {strides = array<i32>} : memref<640xf32, #tpu.memory_space<vmem>>, vector<16xf32>,
    %swap3A_47 = vector.shape_cast %swap3A_46 : vector<16xf32> to vector<16xf32>
    %swap3A_48 = vector.shape_cast %broadcast_in_dim3A_44 : vector<16xf32> to vector<16xf32>
    tpu.vector_store %arg6[%swap3A_45], %swap3A_48 {strides = array<i32>} : memref<640xf32, #tpu.memory_space<vmem>>, vector<16xf32>,
    %broadcast_in_dim3A_49 = arith.constant 0.000000e+00 : f32
    %broadcast_in_dim3A_50 = vector.broadcast %broadcast_in_dim3A_49 : f32 to vector<16xf32>
    %swap3A_51 = arith.constant 128 : index
    %swap3A_52 = tpu.vector_load %arg6[%swap3A_51] {strides = array<i32>} : memref<640xf32, #tpu.memory_space<vmem>>, vector<16xf32>,
    %swap3A_53 = vector.shape_cast %swap3A_52 : vector<16xf32> to vector<16xf32>
    %swap3A_54 = vector.shape_cast %broadcast_in_dim3A_50 : vector<16xf32> to vector<16xf32>
    tpu.vector_store %arg6[%swap3A_51], %swap3A_54 {strides = array<i32>} : memref<640xf32, #tpu.memory_space<vmem>>, vector<16xf32>,
    %broadcast_in_dim3A_55 = arith.constant 0.000000e+00 : f32
    %broadcast_in_dim3A_56 = vector.broadcast %broadcast_in_dim3A_55 : f32 to vector<16xf32>
    %swap3A_57 = arith.constant 144 : index
    %swap3A_58 = tpu.vector_load %arg6[%swap3A_57] {strides = array<i32>} : memref<640xf32, #tpu.memory_space<vmem>>, vector<16xf32>,
    %swap3A_59 = vector.shape_cast %swap3A_58 : vector<16xf32> to vector<16xf32>
    %swap3A_60 = vector.shape_cast %broadcast_in_dim3A_56 : vector<16xf32> to vector<16xf32>
    tpu.vector_store %arg6[%swap3A_57], %swap3A_60 {strides = array<i32>} : memref<640xf32, #tpu.memory_space<vmem>>, vector<16xf32>,
    %broadcast_in_dim3A_61 = arith.constant 0.000000e+00 : f32
    %broadcast_in_dim3A_62 = vector.broadcast %broadcast_in_dim3A_61 : f32 to vector<16xf32>
    %swap3A_63 = arith.constant 160 : index
    %swap3A_64 = tpu.vector_load %arg6[%swap3A_63] {strides = array<i32>} : memref<640xf32, #tpu.memory_space<vmem>>, vector<16xf32>,
    %swap3A_65 = vector.shape_cast %swap3A_64 : vector<16xf32> to vector<16xf32>
    %swap3A_66 = vector.shape_cast %broadcast_in_dim3A_62 : vector<16xf32> to vector<16xf32>
    tpu.vector_store %arg6[%swap3A_63], %swap3A_66 {strides = array<i32>} : memref<640xf32, #tpu.memory_space<vmem>>, vector<16xf32>,
    %broadcast_in_dim3A_67 = arith.constant 0.000000e+00 : f32
    %broadcast_in_dim3A_68 = vector.broadcast %broadcast_in_dim3A_67 : f32 to vector<16xf32>
    %swap3A_69 = arith.constant 176 : index
    %swap3A_70 = tpu.vector_load %arg6[%swap3A_69] {strides = array<i32>} : memref<640xf32, #tpu.memory_space<vmem>>, vector<16xf32>,
    %swap3A_71 = vector.shape_cast %swap3A_70 : vector<16xf32> to vector<16xf32>
    %swap3A_72 = vector.shape_cast %broadcast_in_dim3A_68 : vector<16xf32> to vector<16xf32>
    tpu.vector_store %arg6[%swap3A_69], %swap3A_72 {strides = array<i32>} : memref<640xf32, #tpu.memory_space<vmem>>, vector<16xf32>,
    %broadcast_in_dim3A_73 = arith.constant 0.000000e+00 : f32
    %broadcast_in_dim3A_74 = vector.broadcast %broadcast_in_dim3A_73 : f32 to vector<16xf32>
    %swap3A_75 = arith.constant 192 : index
    %swap3A_76 = tpu.vector_load %arg6[%swap3A_75] {strides = array<i32>} : memref<640xf32, #tpu.memory_space<vmem>>, vector<16xf32>,
    %swap3A_77 = vector.shape_cast %swap3A_76 : vector<16xf32> to vector<16xf32>
    %swap3A_78 = vector.shape_cast %broadcast_in_dim3A_74 : vector<16xf32> to vector<16xf32>
    tpu.vector_store %arg6[%swap3A_75], %swap3A_78 {strides = array<i32>} : memref<640xf32, #tpu.memory_space<vmem>>, vector<16xf32>,
    %broadcast_in_dim3A_79 = arith.constant 0.000000e+00 : f32
    %broadcast_in_dim3A_80 = vector.broadcast %broadcast_in_dim3A_79 : f32 to vector<16xf32>
    %swap3A_81 = arith.constant 208 : index
    %swap3A_82 = tpu.vector_load %arg6[%swap3A_81] {strides = array<i32>} : memref<640xf32, #tpu.memory_space<vmem>>, vector<16xf32>,
    %swap3A_83 = vector.shape_cast %swap3A_82 : vector<16xf32> to vector<16xf32>
    %swap3A_84 = vector.shape_cast %broadcast_in_dim3A_80 : vector<16xf32> to vector<16xf32>
    tpu.vector_store %arg6[%swap3A_81], %swap3A_84 {strides = array<i32>} : memref<640xf32, #tpu.memory_space<vmem>>, vector<16xf32>,
    %broadcast_in_dim3A_85 = arith.constant 0.000000e+00 : f32
    %broadcast_in_dim3A_86 = vector.broadcast %broadcast_in_dim3A_85 : f32 to vector<16xf32>
    %swap3A_87 = arith.constant 224 : index
    %swap3A_88 = tpu.vector_load %arg6[%swap3A_87] {strides = array<i32>} : memref<640xf32, #tpu.memory_space<vmem>>, vector<16xf32>,
    %swap3A_89 = vector.shape_cast %swap3A_88 : vector<16xf32> to vector<16xf32>
    %swap3A_90 = vector.shape_cast %broadcast_in_dim3A_86 : vector<16xf32> to vector<16xf32>
    tpu.vector_store %arg6[%swap3A_87], %swap3A_90 {strides = array<i32>} : memref<640xf32, #tpu.memory_space<vmem>>, vector<16xf32>,
    %broadcast_in_dim3A_91 = arith.constant 0.000000e+00 : f32
    %broadcast_in_dim3A_92 = vector.broadcast %broadcast_in_dim3A_91 : f32 to vector<16xf32>
    %swap3A_93 = arith.constant 240 : index
    %swap3A_94 = tpu.vector_load %arg6[%swap3A_93] {strides = array<i32>} : memref<640xf32, #tpu.memory_space<vmem>>, vector<16xf32>,
    %swap3A_95 = vector.shape_cast %swap3A_94 : vector<16xf32> to vector<16xf32>
    %swap3A_96 = vector.shape_cast %broadcast_in_dim3A_92 : vector<16xf32> to vector<16xf32>
    tpu.vector_store %arg6[%swap3A_93], %swap3A_96 {strides = array<i32>} : memref<640xf32, #tpu.memory_space<vmem>>, vector<16xf32>,
    %broadcast_in_dim3A_97 = arith.constant 0.000000e+00 : f32
    %broadcast_in_dim3A_98 = vector.broadcast %broadcast_in_dim3A_97 : f32 to vector<16xf32>
    %swap3A_99 = arith.constant 256 : index
    %swap3A_100 = tpu.vector_load %arg6[%swap3A_99] {strides = array<i32>} : memref<640xf32, #tpu.memory_space<vmem>>, vector<16xf32>,
    %swap3A_101 = vector.shape_cast %swap3A_100 : vector<16xf32> to vector<16xf32>
    %swap3A_102 = vector.shape_cast %broadcast_in_dim3A_98 : vector<16xf32> to vector<16xf32>
    tpu.vector_store %arg6[%swap3A_99], %swap3A_102 {strides = array<i32>} : memref<640xf32, #tpu.memory_space<vmem>>, vector<16xf32>,
    %broadcast_in_dim3A_103 = arith.constant 0.000000e+00 : f32
    %broadcast_in_dim3A_104 = vector.broadcast %broadcast_in_dim3A_103 : f32 to vector<16xf32>
    %swap3A_105 = arith.constant 272 : index
    %swap3A_106 = tpu.vector_load %arg6[%swap3A_105] {strides = array<i32>} : memref<640xf32, #tpu.memory_space<vmem>>, vector<16xf32>,
    %swap3A_107 = vector.shape_cast %swap3A_106 : vector<16xf32> to vector<16xf32>
    %swap3A_108 = vector.shape_cast %broadcast_in_dim3A_104 : vector<16xf32> to vector<16xf32>
    tpu.vector_store %arg6[%swap3A_105], %swap3A_108 {strides = array<i32>} : memref<640xf32, #tpu.memory_space<vmem>>, vector<16xf32>,
    %broadcast_in_dim3A_109 = arith.constant 0.000000e+00 : f32
    %broadcast_in_dim3A_110 = vector.broadcast %broadcast_in_dim3A_109 : f32 to vector<16xf32>
    %swap3A_111 = arith.constant 288 : index
    %swap3A_112 = tpu.vector_load %arg6[%swap3A_111] {strides = array<i32>} : memref<640xf32, #tpu.memory_space<vmem>>, vector<16xf32>,
    %swap3A_113 = vector.shape_cast %swap3A_112 : vector<16xf32> to vector<16xf32>
    %swap3A_114 = vector.shape_cast %broadcast_in_dim3A_110 : vector<16xf32> to vector<16xf32>
    tpu.vector_store %arg6[%swap3A_111], %swap3A_114 {strides = array<i32>} : memref<640xf32, #tpu.memory_space<vmem>>, vector<16xf32>,
    %broadcast_in_dim3A_115 = arith.constant 0.000000e+00 : f32
    %broadcast_in_dim3A_116 = vector.broadcast %broadcast_in_dim3A_115 : f32 to vector<16xf32>
    %swap3A_117 = arith.constant 304 : index
    %swap3A_118 = tpu.vector_load %arg6[%swap3A_117] {strides = array<i32>} : memref<640xf32, #tpu.memory_space<vmem>>, vector<16xf32>,
    %swap3A_119 = vector.shape_cast %swap3A_118 : vector<16xf32> to vector<16xf32>
    %swap3A_120 = vector.shape_cast %broadcast_in_dim3A_116 : vector<16xf32> to vector<16xf32>
    tpu.vector_store %arg6[%swap3A_117], %swap3A_120 {strides = array<i32>} : memref<640xf32, #tpu.memory_space<vmem>>, vector<16xf32>,
    %broadcast_in_dim3A_121 = arith.constant 0.000000e+00 : f32
    %broadcast_in_dim3A_122 = vector.broadcast %broadcast_in_dim3A_121 : f32 to vector<16xf32>
    %swap3A_123 = arith.constant 320 : index
    %swap3A_124 = tpu.vector_load %arg6[%swap3A_123] {strides = array<i32>} : memref<640xf32, #tpu.memory_space<vmem>>, vector<16xf32>,
    %swap3A_125 = vector.shape_cast %swap3A_124 : vector<16xf32> to vector<16xf32>
    %swap3A_126 = vector.shape_cast %broadcast_in_dim3A_122 : vector<16xf32> to vector<16xf32>
    tpu.vector_store %arg6[%swap3A_123], %swap3A_126 {strides = array<i32>} : memref<640xf32, #tpu.memory_space<vmem>>, vector<16xf32>,
    %broadcast_in_dim3A_127 = arith.constant 0.000000e+00 : f32
    %broadcast_in_dim3A_128 = vector.broadcast %broadcast_in_dim3A_127 : f32 to vector<16xf32>
    %swap3A_129 = arith.constant 336 : index
    %swap3A_130 = tpu.vector_load %arg6[%swap3A_129] {strides = array<i32>} : memref<640xf32, #tpu.memory_space<vmem>>, vector<16xf32>,
    %swap3A_131 = vector.shape_cast %swap3A_130 : vector<16xf32> to vector<16xf32>
    %swap3A_132 = vector.shape_cast %broadcast_in_dim3A_128 : vector<16xf32> to vector<16xf32>
    tpu.vector_store %arg6[%swap3A_129], %swap3A_132 {strides = array<i32>} : memref<640xf32, #tpu.memory_space<vmem>>, vector<16xf32>,
    %broadcast_in_dim3A_133 = arith.constant 0.000000e+00 : f32
    %broadcast_in_dim3A_134 = vector.broadcast %broadcast_in_dim3A_133 : f32 to vector<16xf32>
    %swap3A_135 = arith.constant 352 : index
    %swap3A_136 = tpu.vector_load %arg6[%swap3A_135] {strides = array<i32>} : memref<640xf32, #tpu.memory_space<vmem>>, vector<16xf32>,
    %swap3A_137 = vector.shape_cast %swap3A_136 : vector<16xf32> to vector<16xf32>
    %swap3A_138 = vector.shape_cast %broadcast_in_dim3A_134 : vector<16xf32> to vector<16xf32>
    tpu.vector_store %arg6[%swap3A_135], %swap3A_138 {strides = array<i32>} : memref<640xf32, #tpu.memory_space<vmem>>, vector<16xf32>,
    %broadcast_in_dim3A_139 = arith.constant 0.000000e+00 : f32
    %broadcast_in_dim3A_140 = vector.broadcast %broadcast_in_dim3A_139 : f32 to vector<16xf32>
    %swap3A_141 = arith.constant 368 : index
    %swap3A_142 = tpu.vector_load %arg6[%swap3A_141] {strides = array<i32>} : memref<640xf32, #tpu.memory_space<vmem>>, vector<16xf32>,
    %swap3A_143 = vector.shape_cast %swap3A_142 : vector<16xf32> to vector<16xf32>
    %swap3A_144 = vector.shape_cast %broadcast_in_dim3A_140 : vector<16xf32> to vector<16xf32>
    tpu.vector_store %arg6[%swap3A_141], %swap3A_144 {strides = array<i32>} : memref<640xf32, #tpu.memory_space<vmem>>, vector<16xf32>,
    %broadcast_in_dim3A_145 = arith.constant 0.000000e+00 : f32
    %broadcast_in_dim3A_146 = vector.broadcast %broadcast_in_dim3A_145 : f32 to vector<16xf32>
    %swap3A_147 = arith.constant 384 : index
    %swap3A_148 = tpu.vector_load %arg6[%swap3A_147] {strides = array<i32>} : memref<640xf32, #tpu.memory_space<vmem>>, vector<16xf32>,
    %swap3A_149 = vector.shape_cast %swap3A_148 : vector<16xf32> to vector<16xf32>
    %swap3A_150 = vector.shape_cast %broadcast_in_dim3A_146 : vector<16xf32> to vector<16xf32>
    tpu.vector_store %arg6[%swap3A_147], %swap3A_150 {strides = array<i32>} : memref<640xf32, #tpu.memory_space<vmem>>, vector<16xf32>,
    %broadcast_in_dim3A_151 = arith.constant 0.000000e+00 : f32
    %broadcast_in_dim3A_152 = vector.broadcast %broadcast_in_dim3A_151 : f32 to vector<16xf32>
    %swap3A_153 = arith.constant 400 : index
    %swap3A_154 = tpu.vector_load %arg6[%swap3A_153] {strides = array<i32>} : memref<640xf32, #tpu.memory_space<vmem>>, vector<16xf32>,
    %swap3A_155 = vector.shape_cast %swap3A_154 : vector<16xf32> to vector<16xf32>
    %swap3A_156 = vector.shape_cast %broadcast_in_dim3A_152 : vector<16xf32> to vector<16xf32>
    tpu.vector_store %arg6[%swap3A_153], %swap3A_156 {strides = array<i32>} : memref<640xf32, #tpu.memory_space<vmem>>, vector<16xf32>,
    %broadcast_in_dim3A_157 = arith.constant 0.000000e+00 : f32
    %broadcast_in_dim3A_158 = vector.broadcast %broadcast_in_dim3A_157 : f32 to vector<16xf32>
    %swap3A_159 = arith.constant 416 : index
    %swap3A_160 = tpu.vector_load %arg6[%swap3A_159] {strides = array<i32>} : memref<640xf32, #tpu.memory_space<vmem>>, vector<16xf32>,
    %swap3A_161 = vector.shape_cast %swap3A_160 : vector<16xf32> to vector<16xf32>
    %swap3A_162 = vector.shape_cast %broadcast_in_dim3A_158 : vector<16xf32> to vector<16xf32>
    tpu.vector_store %arg6[%swap3A_159], %swap3A_162 {strides = array<i32>} : memref<640xf32, #tpu.memory_space<vmem>>, vector<16xf32>,
    %broadcast_in_dim3A_163 = arith.constant 0.000000e+00 : f32
    %broadcast_in_dim3A_164 = vector.broadcast %broadcast_in_dim3A_163 : f32 to vector<16xf32>
    %swap3A_165 = arith.constant 432 : index
    %swap3A_166 = tpu.vector_load %arg6[%swap3A_165] {strides = array<i32>} : memref<640xf32, #tpu.memory_space<vmem>>, vector<16xf32>,
    %swap3A_167 = vector.shape_cast %swap3A_166 : vector<16xf32> to vector<16xf32>
    %swap3A_168 = vector.shape_cast %broadcast_in_dim3A_164 : vector<16xf32> to vector<16xf32>
    tpu.vector_store %arg6[%swap3A_165], %swap3A_168 {strides = array<i32>} : memref<640xf32, #tpu.memory_space<vmem>>, vector<16xf32>,
    %broadcast_in_dim3A_169 = arith.constant 0.000000e+00 : f32
    %broadcast_in_dim3A_170 = vector.broadcast %broadcast_in_dim3A_169 : f32 to vector<16xf32>
    %swap3A_171 = arith.constant 448 : index
    %swap3A_172 = tpu.vector_load %arg6[%swap3A_171] {strides = array<i32>} : memref<640xf32, #tpu.memory_space<vmem>>, vector<16xf32>,
    %swap3A_173 = vector.shape_cast %swap3A_172 : vector<16xf32> to vector<16xf32>
    %swap3A_174 = vector.shape_cast %broadcast_in_dim3A_170 : vector<16xf32> to vector<16xf32>
    tpu.vector_store %arg6[%swap3A_171], %swap3A_174 {strides = array<i32>} : memref<640xf32, #tpu.memory_space<vmem>>, vector<16xf32>,
    %broadcast_in_dim3A_175 = arith.constant 0.000000e+00 : f32
    %broadcast_in_dim3A_176 = vector.broadcast %broadcast_in_dim3A_175 : f32 to vector<16xf32>
    %swap3A_177 = arith.constant 464 : index
    %swap3A_178 = tpu.vector_load %arg6[%swap3A_177] {strides = array<i32>} : memref<640xf32, #tpu.memory_space<vmem>>, vector<16xf32>,
    %swap3A_179 = vector.shape_cast %swap3A_178 : vector<16xf32> to vector<16xf32>
    %swap3A_180 = vector.shape_cast %broadcast_in_dim3A_176 : vector<16xf32> to vector<16xf32>
    tpu.vector_store %arg6[%swap3A_177], %swap3A_180 {strides = array<i32>} : memref<640xf32, #tpu.memory_space<vmem>>, vector<16xf32>,
    %broadcast_in_dim3A_181 = arith.constant 0.000000e+00 : f32
    %broadcast_in_dim3A_182 = vector.broadcast %broadcast_in_dim3A_181 : f32 to vector<16xf32>
    %swap3A_183 = arith.constant 480 : index
    %swap3A_184 = tpu.vector_load %arg6[%swap3A_183] {strides = array<i32>} : memref<640xf32, #tpu.memory_space<vmem>>, vector<16xf32>,
    %swap3A_185 = vector.shape_cast %swap3A_184 : vector<16xf32> to vector<16xf32>
    %swap3A_186 = vector.shape_cast %broadcast_in_dim3A_182 : vector<16xf32> to vector<16xf32>
    tpu.vector_store %arg6[%swap3A_183], %swap3A_186 {strides = array<i32>} : memref<640xf32, #tpu.memory_space<vmem>>, vector<16xf32>,
    %broadcast_in_dim3A_187 = arith.constant 0.000000e+00 : f32
    %broadcast_in_dim3A_188 = vector.broadcast %broadcast_in_dim3A_187 : f32 to vector<16xf32>
    %swap3A_189 = arith.constant 496 : index
    %swap3A_190 = tpu.vector_load %arg6[%swap3A_189] {strides = array<i32>} : memref<640xf32, #tpu.memory_space<vmem>>, vector<16xf32>,
    %swap3A_191 = vector.shape_cast %swap3A_190 : vector<16xf32> to vector<16xf32>
    %swap3A_192 = vector.shape_cast %broadcast_in_dim3A_188 : vector<16xf32> to vector<16xf32>
    tpu.vector_store %arg6[%swap3A_189], %swap3A_192 {strides = array<i32>} : memref<640xf32, #tpu.memory_space<vmem>>, vector<16xf32>,
    %broadcast_in_dim3A_193 = arith.constant 0.000000e+00 : f32
    %broadcast_in_dim3A_194 = vector.broadcast %broadcast_in_dim3A_193 : f32 to vector<16xf32>
    %swap3A_195 = arith.constant 512 : index
    %swap3A_196 = tpu.vector_load %arg6[%swap3A_195] {strides = array<i32>} : memref<640xf32, #tpu.memory_space<vmem>>, vector<16xf32>,
    %swap3A_197 = vector.shape_cast %swap3A_196 : vector<16xf32> to vector<16xf32>
    %swap3A_198 = vector.shape_cast %broadcast_in_dim3A_194 : vector<16xf32> to vector<16xf32>
    tpu.vector_store %arg6[%swap3A_195], %swap3A_198 {strides = array<i32>} : memref<640xf32, #tpu.memory_space<vmem>>, vector<16xf32>,
    %broadcast_in_dim3A_199 = arith.constant 0.000000e+00 : f32
    %broadcast_in_dim3A_200 = vector.broadcast %broadcast_in_dim3A_199 : f32 to vector<16xf32>
    %swap3A_201 = arith.constant 528 : index
    %swap3A_202 = tpu.vector_load %arg6[%swap3A_201] {strides = array<i32>} : memref<640xf32, #tpu.memory_space<vmem>>, vector<16xf32>,
    %swap3A_203 = vector.shape_cast %swap3A_202 : vector<16xf32> to vector<16xf32>
    %swap3A_204 = vector.shape_cast %broadcast_in_dim3A_200 : vector<16xf32> to vector<16xf32>
    tpu.vector_store %arg6[%swap3A_201], %swap3A_204 {strides = array<i32>} : memref<640xf32, #tpu.memory_space<vmem>>, vector<16xf32>,
    %broadcast_in_dim3A_205 = arith.constant 0.000000e+00 : f32
    %broadcast_in_dim3A_206 = vector.broadcast %broadcast_in_dim3A_205 : f32 to vector<16xf32>
    %swap3A_207 = arith.constant 544 : index
    %swap3A_208 = tpu.vector_load %arg6[%swap3A_207] {strides = array<i32>} : memref<640xf32, #tpu.memory_space<vmem>>, vector<16xf32>,
    %swap3A_209 = vector.shape_cast %swap3A_208 : vector<16xf32> to vector<16xf32>
    %swap3A_210 = vector.shape_cast %broadcast_in_dim3A_206 : vector<16xf32> to vector<16xf32>
    tpu.vector_store %arg6[%swap3A_207], %swap3A_210 {strides = array<i32>} : memref<640xf32, #tpu.memory_space<vmem>>, vector<16xf32>,
    %broadcast_in_dim3A_211 = arith.constant 0.000000e+00 : f32
    %broadcast_in_dim3A_212 = vector.broadcast %broadcast_in_dim3A_211 : f32 to vector<16xf32>
    %swap3A_213 = arith.constant 560 : index
    %swap3A_214 = tpu.vector_load %arg6[%swap3A_213] {strides = array<i32>} : memref<640xf32, #tpu.memory_space<vmem>>, vector<16xf32>,
    %swap3A_215 = vector.shape_cast %swap3A_214 : vector<16xf32> to vector<16xf32>
    %swap3A_216 = vector.shape_cast %broadcast_in_dim3A_212 : vector<16xf32> to vector<16xf32>
    tpu.vector_store %arg6[%swap3A_213], %swap3A_216 {strides = array<i32>} : memref<640xf32, #tpu.memory_space<vmem>>, vector<16xf32>,
    %broadcast_in_dim3A_217 = arith.constant 0.000000e+00 : f32
    %broadcast_in_dim3A_218 = vector.broadcast %broadcast_in_dim3A_217 : f32 to vector<16xf32>
    %swap3A_219 = arith.constant 576 : index
    %swap3A_220 = tpu.vector_load %arg6[%swap3A_219] {strides = array<i32>} : memref<640xf32, #tpu.memory_space<vmem>>, vector<16xf32>,
    %swap3A_221 = vector.shape_cast %swap3A_220 : vector<16xf32> to vector<16xf32>
    %swap3A_222 = vector.shape_cast %broadcast_in_dim3A_218 : vector<16xf32> to vector<16xf32>
    tpu.vector_store %arg6[%swap3A_219], %swap3A_222 {strides = array<i32>} : memref<640xf32, #tpu.memory_space<vmem>>, vector<16xf32>,
    %broadcast_in_dim3A_223 = arith.constant 0.000000e+00 : f32
    %broadcast_in_dim3A_224 = vector.broadcast %broadcast_in_dim3A_223 : f32 to vector<16xf32>
    %swap3A_225 = arith.constant 592 : index
    %swap3A_226 = tpu.vector_load %arg6[%swap3A_225] {strides = array<i32>} : memref<640xf32, #tpu.memory_space<vmem>>, vector<16xf32>,
    %swap3A_227 = vector.shape_cast %swap3A_226 : vector<16xf32> to vector<16xf32>
    %swap3A_228 = vector.shape_cast %broadcast_in_dim3A_224 : vector<16xf32> to vector<16xf32>
    tpu.vector_store %arg6[%swap3A_225], %swap3A_228 {strides = array<i32>} : memref<640xf32, #tpu.memory_space<vmem>>, vector<16xf32>,
    %broadcast_in_dim3A_229 = arith.constant 0.000000e+00 : f32
    %broadcast_in_dim3A_230 = vector.broadcast %broadcast_in_dim3A_229 : f32 to vector<16xf32>
    %swap3A_231 = arith.constant 608 : index
    %swap3A_232 = tpu.vector_load %arg6[%swap3A_231] {strides = array<i32>} : memref<640xf32, #tpu.memory_space<vmem>>, vector<16xf32>,
    %swap3A_233 = vector.shape_cast %swap3A_232 : vector<16xf32> to vector<16xf32>
    %swap3A_234 = vector.shape_cast %broadcast_in_dim3A_230 : vector<16xf32> to vector<16xf32>
    tpu.vector_store %arg6[%swap3A_231], %swap3A_234 {strides = array<i32>} : memref<640xf32, #tpu.memory_space<vmem>>, vector<16xf32>,
    %broadcast_in_dim3A_235 = arith.constant 0.000000e+00 : f32
    %broadcast_in_dim3A_236 = vector.broadcast %broadcast_in_dim3A_235 : f32 to vector<16xf32>
    %swap3A_237 = arith.constant 624 : index
    %swap3A_238 = tpu.vector_load %arg6[%swap3A_237] {strides = array<i32>} : memref<640xf32, #tpu.memory_space<vmem>>, vector<16xf32>,
    %swap3A_239 = vector.shape_cast %swap3A_238 : vector<16xf32> to vector<16xf32>
    %swap3A_240 = vector.shape_cast %broadcast_in_dim3A_236 : vector<16xf32> to vector<16xf32>
    tpu.vector_store %arg6[%swap3A_237], %swap3A_240 {strides = array<i32>} : memref<640xf32, #tpu.memory_space<vmem>>, vector<16xf32>,
    "tpu.region"() ({
      %run_scoped3A = tpu.sem_alloc : memref<!tpu.dma_semaphore, #tpu.memory_space<semaphore_mem>>
      %dma_start3A = arith.constant 0 : i32
      %dma_start3A_301 = tpu.memref_slice %arg6[%dma_start3A] : memref<640xf32, #tpu.memory_space<vmem>> -> memref<632xf32, #tpu.memory_space<vmem>>
      %dma_start3A_302 = tpu.memref_slice %arg7[%multiple_of3A] : memref<10112xf32, #tpu.memory_space<vmem_shared>> -> memref<632xf32, #tpu.memory_space<vmem_shared>>
      %dma_start3A_303 = tpu.memref_slice %arg7[%multiple_of3A] : memref<10112xf32, #tpu.memory_space<vmem_shared>> -> memref<632xf32, #tpu.memory_space<vmem_shared>>
      %dma_start3A_304 = arith.constant 0 : i32
      %dma_start3A_305 = tpu.memref_slice %arg6[%dma_start3A_304] : memref<640xf32, #tpu.memory_space<vmem>> -> memref<632xf32, #tpu.memory_space<vmem>>
      tpu.enqueue_dma source(%dma_start3A_305 : memref<632xf32, #tpu.memory_space<vmem>>) target(%dma_start3A_303 : memref<632xf32, #tpu.memory_space<vmem_shared>>) target_semaphore(%run_scoped3A : memref<!tpu.dma_semaphore, #tpu.memory_space<semaphore_mem>>)
      %dma_wait3A = arith.constant 0 : i32
      %dma_wait3A_306 = tpu.memref_slice %arg6[%dma_wait3A] : memref<640xf32, #tpu.memory_space<vmem>> -> memref<632xf32, #tpu.memory_space<vmem>>
      %dma_wait3A_307 = tpu.memref_slice %arg7[%multiple_of3A] : memref<10112xf32, #tpu.memory_space<vmem_shared>> -> memref<632xf32, #tpu.memory_space<vmem_shared>>
      %dma_wait3A_308 = tpu.memref_slice %arg7[%multiple_of3A] : memref<10112xf32, #tpu.memory_space<vmem_shared>> -> memref<632xf32, #tpu.memory_space<vmem_shared>>
      %dma_wait3A_309 = arith.constant 0 : i32
      %dma_wait3A_310 = tpu.memref_slice %arg6[%dma_wait3A_309] : memref<640xf32, #tpu.memory_space<vmem>> -> memref<632xf32, #tpu.memory_space<vmem>>
      tpu.wait_dma2 semaphore(%run_scoped3A : memref<!tpu.dma_semaphore, #tpu.memory_space<semaphore_mem>>) src(%dma_wait3A_310 : memref<632xf32, #tpu.memory_space<vmem>>) dst(%dma_wait3A_308 : memref<632xf32, #tpu.memory_space<vmem_shared>>)
      tpu.yield
    }) : () -> ()
    %broadcast_in_dim3A_241 = arith.constant 1.000000e+00 : f32
    %broadcast_in_dim3A_242 = vector.broadcast %broadcast_in_dim3A_241 : f32 to vector<16xf32>
    %swap3A_243 = arith.constant 0 : index
    %swap3A_244 = tpu.vector_load %arg5[%swap3A_243] {strides = array<i32>} : memref<128xf32, #tpu.memory_space<vmem>>, vector<16xf32>,
    %swap3A_245 = vector.shape_cast %swap3A_244 : vector<16xf32> to vector<16xf32>
    %swap3A_246 = vector.shape_cast %broadcast_in_dim3A_242 : vector<16xf32> to vector<16xf32>
    tpu.vector_store %arg5[%swap3A_243], %swap3A_246 {strides = array<i32>} : memref<128xf32, #tpu.memory_space<vmem>>, vector<16xf32>,
    %broadcast_in_dim3A_247 = arith.constant 1.000000e+00 : f32
    %broadcast_in_dim3A_248 = vector.broadcast %broadcast_in_dim3A_247 : f32 to vector<16xf32>
    %swap3A_249 = arith.constant 16 : index
    %swap3A_250 = tpu.vector_load %arg5[%swap3A_249] {strides = array<i32>} : memref<128xf32, #tpu.memory_space<vmem>>, vector<16xf32>,
    %swap3A_251 = vector.shape_cast %swap3A_250 : vector<16xf32> to vector<16xf32>
    %swap3A_252 = vector.shape_cast %broadcast_in_dim3A_248 : vector<16xf32> to vector<16xf32>
    tpu.vector_store %arg5[%swap3A_249], %swap3A_252 {strides = array<i32>} : memref<128xf32, #tpu.memory_space<vmem>>, vector<16xf32>,
    %broadcast_in_dim3A_253 = arith.constant 1.000000e+00 : f32
    %broadcast_in_dim3A_254 = vector.broadcast %broadcast_in_dim3A_253 : f32 to vector<16xf32>
    %swap3A_255 = arith.constant 32 : index
    %swap3A_256 = tpu.vector_load %arg5[%swap3A_255] {strides = array<i32>} : memref<128xf32, #tpu.memory_space<vmem>>, vector<16xf32>,
    %swap3A_257 = vector.shape_cast %swap3A_256 : vector<16xf32> to vector<16xf32>
    %swap3A_258 = vector.shape_cast %broadcast_in_dim3A_254 : vector<16xf32> to vector<16xf32>
    tpu.vector_store %arg5[%swap3A_255], %swap3A_258 {strides = array<i32>} : memref<128xf32, #tpu.memory_space<vmem>>, vector<16xf32>,
    %broadcast_in_dim3A_259 = arith.constant 1.000000e+00 : f32
    %broadcast_in_dim3A_260 = vector.broadcast %broadcast_in_dim3A_259 : f32 to vector<16xf32>
    %swap3A_261 = arith.constant 48 : index
    %swap3A_262 = tpu.vector_load %arg5[%swap3A_261] {strides = array<i32>} : memref<128xf32, #tpu.memory_space<vmem>>, vector<16xf32>,
    %swap3A_263 = vector.shape_cast %swap3A_262 : vector<16xf32> to vector<16xf32>
    %swap3A_264 = vector.shape_cast %broadcast_in_dim3A_260 : vector<16xf32> to vector<16xf32>
    tpu.vector_store %arg5[%swap3A_261], %swap3A_264 {strides = array<i32>} : memref<128xf32, #tpu.memory_space<vmem>>, vector<16xf32>,
    %broadcast_in_dim3A_265 = arith.constant 1.000000e+00 : f32
    %broadcast_in_dim3A_266 = vector.broadcast %broadcast_in_dim3A_265 : f32 to vector<16xf32>
    %swap3A_267 = arith.constant 64 : index
    %swap3A_268 = tpu.vector_load %arg5[%swap3A_267] {strides = array<i32>} : memref<128xf32, #tpu.memory_space<vmem>>, vector<16xf32>,
    %swap3A_269 = vector.shape_cast %swap3A_268 : vector<16xf32> to vector<16xf32>
    %swap3A_270 = vector.shape_cast %broadcast_in_dim3A_266 : vector<16xf32> to vector<16xf32>
    tpu.vector_store %arg5[%swap3A_267], %swap3A_270 {strides = array<i32>} : memref<128xf32, #tpu.memory_space<vmem>>, vector<16xf32>,
    %broadcast_in_dim3A_271 = arith.constant 1.000000e+00 : f32
    %broadcast_in_dim3A_272 = vector.broadcast %broadcast_in_dim3A_271 : f32 to vector<16xf32>
    %swap3A_273 = arith.constant 80 : index
    %swap3A_274 = tpu.vector_load %arg5[%swap3A_273] {strides = array<i32>} : memref<128xf32, #tpu.memory_space<vmem>>, vector<16xf32>,
    %swap3A_275 = vector.shape_cast %swap3A_274 : vector<16xf32> to vector<16xf32>
    %swap3A_276 = vector.shape_cast %broadcast_in_dim3A_272 : vector<16xf32> to vector<16xf32>
    tpu.vector_store %arg5[%swap3A_273], %swap3A_276 {strides = array<i32>} : memref<128xf32, #tpu.memory_space<vmem>>, vector<16xf32>,
    %broadcast_in_dim3A_277 = arith.constant 1.000000e+00 : f32
    %broadcast_in_dim3A_278 = vector.broadcast %broadcast_in_dim3A_277 : f32 to vector<16xf32>
    %swap3A_279 = arith.constant 96 : index
    %swap3A_280 = tpu.vector_load %arg5[%swap3A_279] {strides = array<i32>} : memref<128xf32, #tpu.memory_space<vmem>>, vector<16xf32>,
    %swap3A_281 = vector.shape_cast %swap3A_280 : vector<16xf32> to vector<16xf32>
    %swap3A_282 = vector.shape_cast %broadcast_in_dim3A_278 : vector<16xf32> to vector<16xf32>
    tpu.vector_store %arg5[%swap3A_279], %swap3A_282 {strides = array<i32>} : memref<128xf32, #tpu.memory_space<vmem>>, vector<16xf32>,
    %broadcast_in_dim3A_283 = arith.constant 1.000000e+00 : f32
    %broadcast_in_dim3A_284 = vector.broadcast %broadcast_in_dim3A_283 : f32 to vector<16xf32>
    %swap3A_285 = arith.constant 112 : index
    %swap3A_286 = tpu.vector_load %arg5[%swap3A_285] {strides = array<i32>} : memref<128xf32, #tpu.memory_space<vmem>>, vector<16xf32>,
    %swap3A_287 = vector.shape_cast %swap3A_286 : vector<16xf32> to vector<16xf32>
    %swap3A_288 = vector.shape_cast %broadcast_in_dim3A_284 : vector<16xf32> to vector<16xf32>
    tpu.vector_store %arg5[%swap3A_285], %swap3A_288 {strides = array<i32>} : memref<128xf32, #tpu.memory_space<vmem>>, vector<16xf32>,
    "tpu.region"() ({
      %run_scoped3A = tpu.sem_alloc : memref<!tpu.dma_semaphore, #tpu.memory_space<semaphore_mem>>
      %dma_start3A = arith.constant 0 : i32
      %dma_start3A_301 = arith.constant 0 : i32
      %dma_start3A_302 = tpu.memref_slice %arg2[%add3A, %dma_start3A, %dma_start3A_301] : memref<32x80x128xi32, #tpu.memory_space<hbm>> -> memref<1x80x128xi32, #tpu.memory_space<hbm>>
      %dma_start3A_303 = tpu.memref_squeeze %dma_start3A_302 : memref<1x80x128xi32, #tpu.memory_space<hbm>> -> memref<80x128xi32, #tpu.memory_space<hbm>>
      %dma_start3A_304 = arith.constant 0 : i32
      %dma_start3A_305 = arith.constant 0 : i32
      %dma_start3A_306 = tpu.memref_slice %arg2[%add3A, %dma_start3A_304, %dma_start3A_305] : memref<32x80x128xi32, #tpu.memory_space<hbm>> -> memref<1x80x128xi32, #tpu.memory_space<hbm>>
      %dma_start3A_307 = tpu.memref_squeeze %dma_start3A_306 : memref<1x80x128xi32, #tpu.memory_space<hbm>> -> memref<80x128xi32, #tpu.memory_space<hbm>>
      tpu.enqueue_dma source(%dma_start3A_307 : memref<80x128xi32, #tpu.memory_space<hbm>>) target(%arg4 : memref<80x128xi32, #tpu.memory_space<vmem>>) target_semaphore(%run_scoped3A : memref<!tpu.dma_semaphore, #tpu.memory_space<semaphore_mem>>)
      %dma_wait3A = arith.constant 0 : i32
      %dma_wait3A_308 = arith.constant 0 : i32
      %dma_wait3A_309 = tpu.memref_slice %arg2[%add3A, %dma_wait3A, %dma_wait3A_308] : memref<32x80x128xi32, #tpu.memory_space<hbm>> -> memref<1x80x128xi32, #tpu.memory_space<hbm>>
      %dma_wait3A_310 = tpu.memref_squeeze %dma_wait3A_309 : memref<1x80x128xi32, #tpu.memory_space<hbm>> -> memref<80x128xi32, #tpu.memory_space<hbm>>
      %dma_wait3A_311 = arith.constant 0 : i32
      %dma_wait3A_312 = arith.constant 0 : i32
      %dma_wait3A_313 = tpu.memref_slice %arg2[%add3A, %dma_wait3A_311, %dma_wait3A_312] : memref<32x80x128xi32, #tpu.memory_space<hbm>> -> memref<1x80x128xi32, #tpu.memory_space<hbm>>
      %dma_wait3A_314 = tpu.memref_squeeze %dma_wait3A_313 : memref<1x80x128xi32, #tpu.memory_space<hbm>> -> memref<80x128xi32, #tpu.memory_space<hbm>>
      tpu.wait_dma2 semaphore(%run_scoped3A : memref<!tpu.dma_semaphore, #tpu.memory_space<semaphore_mem>>) src(%dma_wait3A_314 : memref<80x128xi32, #tpu.memory_space<hbm>>) dst(%arg4 : memref<80x128xi32, #tpu.memory_space<vmem>>)
      tpu.yield
    }) : () -> ()
    %barrier3A = arith.constant 0 : index
    tpu.barrier barrier_id(%barrier3A)
    %scan3A = arith.constant 0 : i32
    %scan3A_289 = arith.constant 0 : i32
    %scan3A_290 = arith.constant 80 : i32
    %scan3A_291 = arith.addi %scan3A_289, %scan3A_290 : i32
    %scan3A_292 = arith.constant 1 : i32
    scf.for %scan3A_301 = %scan3A_289 to %scan3A_291 step %scan3A_292  : i32 {
      "tpu.region"() ({
        %run_scoped3A = tpu.sem_alloc : memref<!tpu.dma_semaphore, #tpu.memory_space<semaphore_mem>>
        %dma_start3A = arith.constant 0 : i32
        %dma_start3A_302 = tpu.memref_slice %arg4[%scan3A_301, %dma_start3A] : memref<80x128xi32, #tpu.memory_space<vmem>> -> memref<1x128xi32, #tpu.memory_space<vmem>>
        %dma_start3A_303 = tpu.memref_squeeze %dma_start3A_302 : memref<1x128xi32, #tpu.memory_space<vmem>> -> memref<128xi32, #tpu.memory_space<vmem>>
        %dma_start3A_304 = arith.constant 0 : i32
        %dma_start3A_305 = tpu.memref_slice %arg7[%dma_start3A_304] : memref<10112xf32, #tpu.memory_space<vmem_shared>> -> memref<10112xf32, #tpu.memory_space<vmem_shared>>
        tpu.enqueue_indirect_dma source(%arg5 : memref<128xf32, #tpu.memory_space<vmem>>) target(%dma_start3A_305 : memref<10112xf32, #tpu.memory_space<vmem_shared>>) offsets(%dma_start3A_303 : memref<128xi32, #tpu.memory_space<vmem>>) semaphore(%run_scoped3A : memref<!tpu.dma_semaphore, #tpu.memory_space<semaphore_mem>>) {add = true}
        %dma_wait3A = arith.constant 0 : i32
        %dma_wait3A_306 = tpu.memref_slice %arg4[%scan3A_301, %dma_wait3A] : memref<80x128xi32, #tpu.memory_space<vmem>> -> memref<1x128xi32, #tpu.memory_space<vmem>>
        %dma_wait3A_307 = tpu.memref_squeeze %dma_wait3A_306 : memref<1x128xi32, #tpu.memory_space<vmem>> -> memref<128xi32, #tpu.memory_space<vmem>>
        %dma_wait3A_308 = arith.constant 0 : i32
        %dma_wait3A_309 = tpu.memref_slice %arg7[%dma_wait3A_308] : memref<10112xf32, #tpu.memory_space<vmem_shared>> -> memref<10112xf32, #tpu.memory_space<vmem_shared>>
        tpu.wait_indirect_dma semaphore(%run_scoped3A : memref<!tpu.dma_semaphore, #tpu.memory_space<semaphore_mem>>) src(%arg5 : memref<128xf32, #tpu.memory_space<vmem>>) dst(%dma_wait3A_309 : memref<10112xf32, #tpu.memory_space<vmem_shared>>)
        tpu.yield
      }) : () -> ()
    }
    %scan3A_293 = arith.constant 80 : i32
    %barrier3A_294 = arith.constant 0 : index
    tpu.barrier barrier_id(%barrier3A_294)
    %mul3A_295 = arith.constant 10112 : i32
    %mul3A_296 = arith.muli %arg0, %mul3A_295 : i32
    %mul3A_297 = arith.constant 632 : i32
    %mul3A_298 = arith.muli %arg1, %mul3A_297 : i32
    %add3A_299 = arith.addi %mul3A_296, %mul3A_298 : i32
    %multiple_of3A_300 = tpu.assume_multiple %add3A_299, 8 : i32
    "tpu.region"() ({
      %run_scoped3A = tpu.sem_alloc : memref<!tpu.dma_semaphore, #tpu.memory_space<semaphore_mem>>
      %dma_start3A = arith.constant 0 : i32
      %dma_start3A_301 = tpu.memref_slice %arg6[%dma_start3A] : memref<640xf32, #tpu.memory_space<vmem>> -> memref<632xf32, #tpu.memory_space<vmem>>
      %dma_start3A_302 = tpu.memref_slice %arg7[%multiple_of3A] : memref<10112xf32, #tpu.memory_space<vmem_shared>> -> memref<632xf32, #tpu.memory_space<vmem_shared>>
      %dma_start3A_303 = arith.constant 0 : i32
      %dma_start3A_304 = tpu.memref_slice %arg6[%dma_start3A_303] : memref<640xf32, #tpu.memory_space<vmem>> -> memref<632xf32, #tpu.memory_space<vmem>>
      %dma_start3A_305 = tpu.memref_slice %arg7[%multiple_of3A] : memref<10112xf32, #tpu.memory_space<vmem_shared>> -> memref<632xf32, #tpu.memory_space<vmem_shared>>
      tpu.enqueue_dma source(%dma_start3A_305 : memref<632xf32, #tpu.memory_space<vmem_shared>>) target(%dma_start3A_304 : memref<632xf32, #tpu.memory_space<vmem>>) target_semaphore(%run_scoped3A : memref<!tpu.dma_semaphore, #tpu.memory_space<semaphore_mem>>)
      %dma_wait3A = arith.constant 0 : i32
      %dma_wait3A_306 = tpu.memref_slice %arg6[%dma_wait3A] : memref<640xf32, #tpu.memory_space<vmem>> -> memref<632xf32, #tpu.memory_space<vmem>>
      %dma_wait3A_307 = tpu.memref_slice %arg7[%multiple_of3A] : memref<10112xf32, #tpu.memory_space<vmem_shared>> -> memref<632xf32, #tpu.memory_space<vmem_shared>>
      %dma_wait3A_308 = arith.constant 0 : i32
      %dma_wait3A_309 = tpu.memref_slice %arg6[%dma_wait3A_308] : memref<640xf32, #tpu.memory_space<vmem>> -> memref<632xf32, #tpu.memory_space<vmem>>
      %dma_wait3A_310 = tpu.memref_slice %arg7[%multiple_of3A] : memref<10112xf32, #tpu.memory_space<vmem_shared>> -> memref<632xf32, #tpu.memory_space<vmem_shared>>
      tpu.wait_dma2 semaphore(%run_scoped3A : memref<!tpu.dma_semaphore, #tpu.memory_space<semaphore_mem>>) src(%dma_wait3A_310 : memref<632xf32, #tpu.memory_space<vmem_shared>>) dst(%dma_wait3A_309 : memref<632xf32, #tpu.memory_space<vmem>>)
      tpu.yield
    }) : () -> ()
    "tpu.region"() ({
      %run_scoped3A = tpu.sem_alloc : memref<!tpu.dma_semaphore, #tpu.memory_space<semaphore_mem>>
      %dma_start3A = arith.constant 0 : i32
      %dma_start3A_301 = tpu.memref_slice %arg6[%dma_start3A] : memref<640xf32, #tpu.memory_space<vmem>> -> memref<632xf32, #tpu.memory_space<vmem>>
      %dma_start3A_302 = tpu.memref_slice %arg3[%multiple_of3A_300] : memref<20224xf32, #tpu.memory_space<hbm>> -> memref<632xf32, #tpu.memory_space<hbm>>
      %dma_start3A_303 = tpu.memref_slice %arg3[%multiple_of3A_300] : memref<20224xf32, #tpu.memory_space<hbm>> -> memref<632xf32, #tpu.memory_space<hbm>>
      %dma_start3A_304 = arith.constant 0 : i32
      %dma_start3A_305 = tpu.memref_slice %arg6[%dma_start3A_304] : memref<640xf32, #tpu.memory_space<vmem>> -> memref<632xf32, #tpu.memory_space<vmem>>
      tpu.enqueue_dma source(%dma_start3A_305 : memref<632xf32, #tpu.memory_space<vmem>>) target(%dma_start3A_303 : memref<632xf32, #tpu.memory_space<hbm>>) target_semaphore(%run_scoped3A : memref<!tpu.dma_semaphore, #tpu.memory_space<semaphore_mem>>)
      %dma_wait3A = arith.constant 0 : i32
      %dma_wait3A_306 = tpu.memref_slice %arg6[%dma_wait3A] : memref<640xf32, #tpu.memory_space<vmem>> -> memref<632xf32, #tpu.memory_space<vmem>>
      %dma_wait3A_307 = tpu.memref_slice %arg3[%multiple_of3A_300] : memref<20224xf32, #tpu.memory_space<hbm>> -> memref<632xf32, #tpu.memory_space<hbm>>
      %dma_wait3A_308 = tpu.memref_slice %arg3[%multiple_of3A_300] : memref<20224xf32, #tpu.memory_space<hbm>> -> memref<632xf32, #tpu.memory_space<hbm>>
      %dma_wait3A_309 = arith.constant 0 : i32
      %dma_wait3A_310 = tpu.memref_slice %arg6[%dma_wait3A_309] : memref<640xf32, #tpu.memory_space<vmem>> -> memref<632xf32, #tpu.memory_space<vmem>>
      tpu.wait_dma2 semaphore(%run_scoped3A : memref<!tpu.dma_semaphore, #tpu.memory_space<semaphore_mem>>) src(%dma_wait3A_310 : memref<632xf32, #tpu.memory_space<vmem>>) dst(%dma_wait3A_308 : memref<632xf32, #tpu.memory_space<hbm>>)
      tpu.yield
    }) : () -> ()
    return
  }
}

#map = affine_map<(d0, d1) -> (0, 0)>
#map1 = affine_map<(d0, d1) -> (0, 0, 0)>
module attributes {stable_mosaic.version = 14 : i64} {
  func.func @_sc_scatter(%arg0: i32, %arg1: i32, %arg2: memref<10112x128xf32, #tpu.memory_space<hbm>>, %arg3: memref<32x80x128xi32, #tpu.memory_space<hbm>>, %arg4: memref<32x80x128xi32, #tpu.memory_space<hbm>>, %arg5: memref<632x128xf32, #tpu.memory_space<hbm>>, %arg6: memref<2x10112x128xf32, #tpu.memory_space<hbm>>, %arg7: memref<40x128xi32, #tpu.memory_space<vmem>>, %arg8: memref<40x128xi32, #tpu.memory_space<vmem>>, %arg9: memref<128x128xf32, #tpu.memory_space<vmem>>, %arg10: memref<128x128xf32, #tpu.memory_space<vmem>>, %arg11: memref<10112x128xf32, #tpu.memory_space<vmem_shared>>, %arg12: memref<!tpu.dma_semaphore, #tpu.memory_space<semaphore_mem>>, %arg13: memref<!tpu.dma_semaphore, #tpu.memory_space<semaphore_mem>>) attributes {dimension_semantics = [#tpu.dimension_semantics<core_parallel>, #tpu.dimension_semantics<subcore_parallel>], iteration_bounds = array<i64: 2, 16>, scalar_prefetch = 0 : i64, scratch_operands = 7 : i64, tpu.core_type = #tpu.core_type<sc_vector_subcore>, window_params = [{transform_indices = #map}, {transform_indices = #map1}, {transform_indices = #map1}, {transform_indices = #map}, {transform_indices = #map1}]} {
    %mul3A = arith.constant 16 : i32
    %mul3A_0 = arith.muli %arg0, %mul3A : i32
    %add3A = arith.addi %mul3A_0, %arg1 : i32
    %mul3A_1 = arith.constant 632 : i32
    %mul3A_2 = arith.muli %arg1, %mul3A_1 : i32
    %multiple_of3A = tpu.assume_multiple %mul3A_2, 8 : i32
    %eq3A = arith.constant 0 : i32
    %eq3A_3 = arith.cmpi eq, %arg0, %eq3A : i32
    %convert_element_type3A = arith.extui %eq3A_3 : i1 to i32
    %cond3A = arith.constant 0 : i32
    %cond3A_4 = arith.cmpi ne, %convert_element_type3A, %cond3A : i32
    scf.if %cond3A_4 {
      "tpu.region"() ({
        %run_scoped3A = tpu.sem_alloc : memref<!tpu.dma_semaphore, #tpu.memory_space<semaphore_mem>>
        %dma_start3A_34 = arith.constant 0 : i32
        %dma_start3A_35 = tpu.memref_slice %arg11[%multiple_of3A, %dma_start3A_34] : memref<10112x128xf32, #tpu.memory_space<vmem_shared>> -> memref<632x128xf32, #tpu.memory_space<vmem_shared>>
        %dma_start3A_36 = arith.constant 0 : i32
        %dma_start3A_37 = tpu.memref_slice %arg2[%multiple_of3A, %dma_start3A_36] : memref<10112x128xf32, #tpu.memory_space<hbm>> -> memref<632x128xf32, #tpu.memory_space<hbm>>
        tpu.enqueue_dma source(%dma_start3A_37 : memref<632x128xf32, #tpu.memory_space<hbm>>) target(%dma_start3A_35 : memref<632x128xf32, #tpu.memory_space<vmem_shared>>) target_semaphore(%run_scoped3A : memref<!tpu.dma_semaphore, #tpu.memory_space<semaphore_mem>>)
        %dma_wait3A = arith.constant 0 : i32
        %dma_wait3A_38 = tpu.memref_slice %arg11[%multiple_of3A, %dma_wait3A] : memref<10112x128xf32, #tpu.memory_space<vmem_shared>> -> memref<632x128xf32, #tpu.memory_space<vmem_shared>>
        %dma_wait3A_39 = arith.constant 0 : i32
        %dma_wait3A_40 = tpu.memref_slice %arg2[%multiple_of3A, %dma_wait3A_39] : memref<10112x128xf32, #tpu.memory_space<hbm>> -> memref<632x128xf32, #tpu.memory_space<hbm>>
        tpu.wait_dma2 semaphore(%run_scoped3A : memref<!tpu.dma_semaphore, #tpu.memory_space<semaphore_mem>>) src(%dma_wait3A_40 : memref<632x128xf32, #tpu.memory_space<hbm>>) dst(%dma_wait3A_38 : memref<632x128xf32, #tpu.memory_space<vmem_shared>>)
        tpu.yield
      }) : () -> ()
    } else {
    }
    %ne3A = arith.constant 0 : i32
    %ne3A_5 = arith.cmpi ne, %arg0, %ne3A : i32
    %convert_element_type3A_6 = arith.extui %ne3A_5 : i1 to i32
    %cond3A_7 = arith.constant 0 : i32
    %cond3A_8 = arith.cmpi ne, %convert_element_type3A_6, %cond3A_7 : i32
    scf.if %cond3A_8 {
      "tpu.region"() ({
        %run_scoped3A = tpu.sem_alloc : memref<!tpu.dma_semaphore, #tpu.memory_space<semaphore_mem>>
        %dma_start3A_34 = arith.constant 0 : i32
        %dma_start3A_35 = tpu.memref_slice %arg11[%multiple_of3A, %dma_start3A_34] : memref<10112x128xf32, #tpu.memory_space<vmem_shared>> -> memref<632x128xf32, #tpu.memory_space<vmem_shared>>
        tpu.enqueue_dma source(%arg5 : memref<632x128xf32, #tpu.memory_space<hbm>>) target(%dma_start3A_35 : memref<632x128xf32, #tpu.memory_space<vmem_shared>>) target_semaphore(%run_scoped3A : memref<!tpu.dma_semaphore, #tpu.memory_space<semaphore_mem>>)
        %dma_wait3A = arith.constant 0 : i32
        %dma_wait3A_36 = tpu.memref_slice %arg11[%multiple_of3A, %dma_wait3A] : memref<10112x128xf32, #tpu.memory_space<vmem_shared>> -> memref<632x128xf32, #tpu.memory_space<vmem_shared>>
        tpu.wait_dma2 semaphore(%run_scoped3A : memref<!tpu.dma_semaphore, #tpu.memory_space<semaphore_mem>>) src(%arg5 : memref<632x128xf32, #tpu.memory_space<hbm>>) dst(%dma_wait3A_36 : memref<632x128xf32, #tpu.memory_space<vmem_shared>>)
        tpu.yield
      }) : () -> ()
    } else {
    }
    %barrier3A = arith.constant 0 : index
    tpu.barrier barrier_id(%barrier3A)
    "tpu.region"() ({
      %run_scoped3A = tpu.sem_alloc : memref<!tpu.dma_semaphore, #tpu.memory_space<semaphore_mem>>
      %dma_start3A_34 = arith.constant 0 : i32
      %dma_start3A_35 = arith.constant 0 : i32
      %dma_start3A_36 = tpu.memref_slice %arg3[%add3A, %dma_start3A_34, %dma_start3A_35] : memref<32x80x128xi32, #tpu.memory_space<hbm>> -> memref<1x40x128xi32, #tpu.memory_space<hbm>>
      %dma_start3A_37 = tpu.memref_squeeze %dma_start3A_36 : memref<1x40x128xi32, #tpu.memory_space<hbm>> -> memref<40x128xi32, #tpu.memory_space<hbm>>
      %dma_start3A_38 = arith.constant 0 : i32
      %dma_start3A_39 = arith.constant 0 : i32
      %dma_start3A_40 = tpu.memref_slice %arg3[%add3A, %dma_start3A_38, %dma_start3A_39] : memref<32x80x128xi32, #tpu.memory_space<hbm>> -> memref<1x40x128xi32, #tpu.memory_space<hbm>>
      %dma_start3A_41 = tpu.memref_squeeze %dma_start3A_40 : memref<1x40x128xi32, #tpu.memory_space<hbm>> -> memref<40x128xi32, #tpu.memory_space<hbm>>
      tpu.enqueue_dma source(%dma_start3A_41 : memref<40x128xi32, #tpu.memory_space<hbm>>) target(%arg7 : memref<40x128xi32, #tpu.memory_space<vmem>>) target_semaphore(%run_scoped3A : memref<!tpu.dma_semaphore, #tpu.memory_space<semaphore_mem>>)
      %dma_wait3A = arith.constant 0 : i32
      %dma_wait3A_42 = arith.constant 0 : i32
      %dma_wait3A_43 = tpu.memref_slice %arg3[%add3A, %dma_wait3A, %dma_wait3A_42] : memref<32x80x128xi32, #tpu.memory_space<hbm>> -> memref<1x40x128xi32, #tpu.memory_space<hbm>>
      %dma_wait3A_44 = tpu.memref_squeeze %dma_wait3A_43 : memref<1x40x128xi32, #tpu.memory_space<hbm>> -> memref<40x128xi32, #tpu.memory_space<hbm>>
      %dma_wait3A_45 = arith.constant 0 : i32
      %dma_wait3A_46 = arith.constant 0 : i32
      %dma_wait3A_47 = tpu.memref_slice %arg3[%add3A, %dma_wait3A_45, %dma_wait3A_46] : memref<32x80x128xi32, #tpu.memory_space<hbm>> -> memref<1x40x128xi32, #tpu.memory_space<hbm>>
      %dma_wait3A_48 = tpu.memref_squeeze %dma_wait3A_47 : memref<1x40x128xi32, #tpu.memory_space<hbm>> -> memref<40x128xi32, #tpu.memory_space<hbm>>
      tpu.wait_dma2 semaphore(%run_scoped3A : memref<!tpu.dma_semaphore, #tpu.memory_space<semaphore_mem>>) src(%dma_wait3A_48 : memref<40x128xi32, #tpu.memory_space<hbm>>) dst(%arg7 : memref<40x128xi32, #tpu.memory_space<vmem>>)
      tpu.yield
    }) : () -> ()
    "tpu.region"() ({
      %run_scoped3A = tpu.sem_alloc : memref<!tpu.dma_semaphore, #tpu.memory_space<semaphore_mem>>
      %dma_start3A_34 = arith.constant 0 : i32
      %dma_start3A_35 = arith.constant 0 : i32
      %dma_start3A_36 = tpu.memref_slice %arg4[%add3A, %dma_start3A_34, %dma_start3A_35] : memref<32x80x128xi32, #tpu.memory_space<hbm>> -> memref<1x40x128xi32, #tpu.memory_space<hbm>>
      %dma_start3A_37 = tpu.memref_squeeze %dma_start3A_36 : memref<1x40x128xi32, #tpu.memory_space<hbm>> -> memref<40x128xi32, #tpu.memory_space<hbm>>
      %dma_start3A_38 = arith.constant 0 : i32
      %dma_start3A_39 = arith.constant 0 : i32
      %dma_start3A_40 = tpu.memref_slice %arg4[%add3A, %dma_start3A_38, %dma_start3A_39] : memref<32x80x128xi32, #tpu.memory_space<hbm>> -> memref<1x40x128xi32, #tpu.memory_space<hbm>>
      %dma_start3A_41 = tpu.memref_squeeze %dma_start3A_40 : memref<1x40x128xi32, #tpu.memory_space<hbm>> -> memref<40x128xi32, #tpu.memory_space<hbm>>
      tpu.enqueue_dma source(%dma_start3A_41 : memref<40x128xi32, #tpu.memory_space<hbm>>) target(%arg8 : memref<40x128xi32, #tpu.memory_space<vmem>>) target_semaphore(%run_scoped3A : memref<!tpu.dma_semaphore, #tpu.memory_space<semaphore_mem>>)
      %dma_wait3A = arith.constant 0 : i32
      %dma_wait3A_42 = arith.constant 0 : i32
      %dma_wait3A_43 = tpu.memref_slice %arg4[%add3A, %dma_wait3A, %dma_wait3A_42] : memref<32x80x128xi32, #tpu.memory_space<hbm>> -> memref<1x40x128xi32, #tpu.memory_space<hbm>>
      %dma_wait3A_44 = tpu.memref_squeeze %dma_wait3A_43 : memref<1x40x128xi32, #tpu.memory_space<hbm>> -> memref<40x128xi32, #tpu.memory_space<hbm>>
      %dma_wait3A_45 = arith.constant 0 : i32
      %dma_wait3A_46 = arith.constant 0 : i32
      %dma_wait3A_47 = tpu.memref_slice %arg4[%add3A, %dma_wait3A_45, %dma_wait3A_46] : memref<32x80x128xi32, #tpu.memory_space<hbm>> -> memref<1x40x128xi32, #tpu.memory_space<hbm>>
      %dma_wait3A_48 = tpu.memref_squeeze %dma_wait3A_47 : memref<1x40x128xi32, #tpu.memory_space<hbm>> -> memref<40x128xi32, #tpu.memory_space<hbm>>
      tpu.wait_dma2 semaphore(%run_scoped3A : memref<!tpu.dma_semaphore, #tpu.memory_space<semaphore_mem>>) src(%dma_wait3A_48 : memref<40x128xi32, #tpu.memory_space<hbm>>) dst(%arg8 : memref<40x128xi32, #tpu.memory_space<vmem>>)
      tpu.yield
    }) : () -> ()
    %dma_start3A = arith.constant 0 : i32
    %dma_start3A_9 = arith.constant 0 : i32
    %dma_start3A_10 = tpu.memref_slice %arg7[%dma_start3A, %dma_start3A_9] : memref<40x128xi32, #tpu.memory_space<vmem>> -> memref<1x128xi32, #tpu.memory_space<vmem>>
    %dma_start3A_11 = tpu.memref_squeeze %dma_start3A_10 : memref<1x128xi32, #tpu.memory_space<vmem>> -> memref<128xi32, #tpu.memory_space<vmem>>
    %dma_start3A_12 = arith.constant 0 : i32
    %dma_start3A_13 = arith.constant 0 : i32
    %dma_start3A_14 = tpu.memref_slice %arg2[%dma_start3A_12, %dma_start3A_13] : memref<10112x128xf32, #tpu.memory_space<hbm>> -> memref<10112x128xf32, #tpu.memory_space<hbm>>
    tpu.enqueue_indirect_dma source(%dma_start3A_14 : memref<10112x128xf32, #tpu.memory_space<hbm>>) target(%arg9 : memref<128x128xf32, #tpu.memory_space<vmem>>) offsets(%dma_start3A_11 : memref<128xi32, #tpu.memory_space<vmem>>) semaphore(%arg12 : memref<!tpu.dma_semaphore, #tpu.memory_space<semaphore_mem>>)
    %scan3A = arith.constant 0 : i32
    %scan3A_15 = arith.constant 0 : i32
    %scan3A_16 = arith.constant 20 : i32
    %scan3A_17 = arith.addi %scan3A_15, %scan3A_16 : i32
    %scan3A_18 = arith.constant 1 : i32
    scf.for %scan3A_34 = %scan3A_15 to %scan3A_17 step %scan3A_18  : i32 {
      %mul3A_35 = arith.constant 2 : i32
      %mul3A_36 = arith.muli %scan3A_34, %mul3A_35 : i32
      %add3A_37 = arith.constant 1 : i32
      %add3A_38 = arith.addi %mul3A_36, %add3A_37 : i32
      %dma_start3A_39 = arith.constant 0 : i32
      %dma_start3A_40 = tpu.memref_slice %arg7[%add3A_38, %dma_start3A_39] : memref<40x128xi32, #tpu.memory_space<vmem>> -> memref<1x128xi32, #tpu.memory_space<vmem>>
      %dma_start3A_41 = tpu.memref_squeeze %dma_start3A_40 : memref<1x128xi32, #tpu.memory_space<vmem>> -> memref<128xi32, #tpu.memory_space<vmem>>
      %dma_start3A_42 = arith.constant 0 : i32
      %dma_start3A_43 = arith.constant 0 : i32
      %dma_start3A_44 = tpu.memref_slice %arg2[%dma_start3A_42, %dma_start3A_43] : memref<10112x128xf32, #tpu.memory_space<hbm>> -> memref<10112x128xf32, #tpu.memory_space<hbm>>
      tpu.enqueue_indirect_dma source(%dma_start3A_44 : memref<10112x128xf32, #tpu.memory_space<hbm>>) target(%arg10 : memref<128x128xf32, #tpu.memory_space<vmem>>) offsets(%dma_start3A_41 : memref<128xi32, #tpu.memory_space<vmem>>) semaphore(%arg13 : memref<!tpu.dma_semaphore, #tpu.memory_space<semaphore_mem>>)
      %dma_wait3A = arith.constant 0 : i32
      %dma_wait3A_45 = tpu.memref_slice %arg7[%mul3A_36, %dma_wait3A] : memref<40x128xi32, #tpu.memory_space<vmem>> -> memref<1x128xi32, #tpu.memory_space<vmem>>
      %dma_wait3A_46 = tpu.memref_squeeze %dma_wait3A_45 : memref<1x128xi32, #tpu.memory_space<vmem>> -> memref<128xi32, #tpu.memory_space<vmem>>
      %dma_wait3A_47 = arith.constant 0 : i32
      %dma_wait3A_48 = arith.constant 0 : i32
      %dma_wait3A_49 = tpu.memref_slice %arg2[%dma_wait3A_47, %dma_wait3A_48] : memref<10112x128xf32, #tpu.memory_space<hbm>> -> memref<10112x128xf32, #tpu.memory_space<hbm>>
      tpu.wait_indirect_dma semaphore(%arg12 : memref<!tpu.dma_semaphore, #tpu.memory_space<semaphore_mem>>) src(%dma_wait3A_49 : memref<10112x128xf32, #tpu.memory_space<hbm>>) dst(%arg9 : memref<128x128xf32, #tpu.memory_space<vmem>>)
      "tpu.region"() ({
        %run_scoped3A = tpu.sem_alloc : memref<!tpu.dma_semaphore, #tpu.memory_space<semaphore_mem>>
        %dma_start3A_66 = arith.constant 0 : i32
        %dma_start3A_67 = tpu.memref_slice %arg8[%mul3A_36, %dma_start3A_66] : memref<40x128xi32, #tpu.memory_space<vmem>> -> memref<1x128xi32, #tpu.memory_space<vmem>>
        %dma_start3A_68 = tpu.memref_squeeze %dma_start3A_67 : memref<1x128xi32, #tpu.memory_space<vmem>> -> memref<128xi32, #tpu.memory_space<vmem>>
        %dma_start3A_69 = arith.constant 0 : i32
        %dma_start3A_70 = arith.constant 0 : i32
        %dma_start3A_71 = tpu.memref_slice %arg11[%dma_start3A_69, %dma_start3A_70] : memref<10112x128xf32, #tpu.memory_space<vmem_shared>> -> memref<10112x128xf32, #tpu.memory_space<vmem_shared>>
        tpu.enqueue_indirect_dma source(%arg9 : memref<128x128xf32, #tpu.memory_space<vmem>>) target(%dma_start3A_71 : memref<10112x128xf32, #tpu.memory_space<vmem_shared>>) offsets(%dma_start3A_68 : memref<128xi32, #tpu.memory_space<vmem>>) semaphore(%run_scoped3A : memref<!tpu.dma_semaphore, #tpu.memory_space<semaphore_mem>>) {add = true}
        %dma_wait3A_72 = arith.constant 0 : i32
        %dma_wait3A_73 = tpu.memref_slice %arg8[%mul3A_36, %dma_wait3A_72] : memref<40x128xi32, #tpu.memory_space<vmem>> -> memref<1x128xi32, #tpu.memory_space<vmem>>
        %dma_wait3A_74 = tpu.memref_squeeze %dma_wait3A_73 : memref<1x128xi32, #tpu.memory_space<vmem>> -> memref<128xi32, #tpu.memory_space<vmem>>
        %dma_wait3A_75 = arith.constant 0 : i32
        %dma_wait3A_76 = arith.constant 0 : i32
        %dma_wait3A_77 = tpu.memref_slice %arg11[%dma_wait3A_75, %dma_wait3A_76] : memref<10112x128xf32, #tpu.memory_space<vmem_shared>> -> memref<10112x128xf32, #tpu.memory_space<vmem_shared>>
        tpu.wait_indirect_dma semaphore(%run_scoped3A : memref<!tpu.dma_semaphore, #tpu.memory_space<semaphore_mem>>) src(%arg9 : memref<128x128xf32, #tpu.memory_space<vmem>>) dst(%dma_wait3A_77 : memref<10112x128xf32, #tpu.memory_space<vmem_shared>>)
        tpu.yield
      }) : () -> ()
      %add3A_50 = arith.constant 2 : i32
      %add3A_51 = arith.addi %mul3A_36, %add3A_50 : i32
      %lt3A = arith.constant 40 : i32
      %lt3A_52 = arith.cmpi slt, %add3A_51, %lt3A : i32
      %convert_element_type3A_53 = arith.extui %lt3A_52 : i1 to i32
      %cond3A_54 = arith.constant 0 : i32
      %cond3A_55 = arith.cmpi ne, %convert_element_type3A_53, %cond3A_54 : i32
      scf.if %cond3A_55 {
        %add3A_66 = arith.constant 2 : i32
        %add3A_67 = arith.addi %mul3A_36, %add3A_66 : i32
        %dma_start3A_68 = arith.constant 0 : i32
        %dma_start3A_69 = tpu.memref_slice %arg7[%add3A_67, %dma_start3A_68] : memref<40x128xi32, #tpu.memory_space<vmem>> -> memref<1x128xi32, #tpu.memory_space<vmem>>
        %dma_start3A_70 = tpu.memref_squeeze %dma_start3A_69 : memref<1x128xi32, #tpu.memory_space<vmem>> -> memref<128xi32, #tpu.memory_space<vmem>>
        %dma_start3A_71 = arith.constant 0 : i32
        %dma_start3A_72 = arith.constant 0 : i32
        %dma_start3A_73 = tpu.memref_slice %arg2[%dma_start3A_71, %dma_start3A_72] : memref<10112x128xf32, #tpu.memory_space<hbm>> -> memref<10112x128xf32, #tpu.memory_space<hbm>>
        tpu.enqueue_indirect_dma source(%dma_start3A_73 : memref<10112x128xf32, #tpu.memory_space<hbm>>) target(%arg9 : memref<128x128xf32, #tpu.memory_space<vmem>>) offsets(%dma_start3A_70 : memref<128xi32, #tpu.memory_space<vmem>>) semaphore(%arg12 : memref<!tpu.dma_semaphore, #tpu.memory_space<semaphore_mem>>)
      } else {
      }
      %add3A_56 = arith.constant 1 : i32
      %add3A_57 = arith.addi %mul3A_36, %add3A_56 : i32
      %dma_wait3A_58 = arith.constant 0 : i32
      %dma_wait3A_59 = tpu.memref_slice %arg7[%add3A_57, %dma_wait3A_58] : memref<40x128xi32, #tpu.memory_space<vmem>> -> memref<1x128xi32, #tpu.memory_space<vmem>>
      %dma_wait3A_60 = tpu.memref_squeeze %dma_wait3A_59 : memref<1x128xi32, #tpu.memory_space<vmem>> -> memref<128xi32, #tpu.memory_space<vmem>>
      %dma_wait3A_61 = arith.constant 0 : i32
      %dma_wait3A_62 = arith.constant 0 : i32
      %dma_wait3A_63 = tpu.memref_slice %arg2[%dma_wait3A_61, %dma_wait3A_62] : memref<10112x128xf32, #tpu.memory_space<hbm>> -> memref<10112x128xf32, #tpu.memory_space<hbm>>
      tpu.wait_indirect_dma semaphore(%arg13 : memref<!tpu.dma_semaphore, #tpu.memory_space<semaphore_mem>>) src(%dma_wait3A_63 : memref<10112x128xf32, #tpu.memory_space<hbm>>) dst(%arg10 : memref<128x128xf32, #tpu.memory_space<vmem>>)
      %add3A_64 = arith.constant 1 : i32
      %add3A_65 = arith.addi %mul3A_36, %add3A_64 : i32
      "tpu.region"() ({
        %run_scoped3A = tpu.sem_alloc : memref<!tpu.dma_semaphore, #tpu.memory_space<semaphore_mem>>
        %dma_start3A_66 = arith.constant 0 : i32
        %dma_start3A_67 = tpu.memref_slice %arg8[%add3A_65, %dma_start3A_66] : memref<40x128xi32, #tpu.memory_space<vmem>> -> memref<1x128xi32, #tpu.memory_space<vmem>>
        %dma_start3A_68 = tpu.memref_squeeze %dma_start3A_67 : memref<1x128xi32, #tpu.memory_space<vmem>> -> memref<128xi32, #tpu.memory_space<vmem>>
        %dma_start3A_69 = arith.constant 0 : i32
        %dma_start3A_70 = arith.constant 0 : i32
        %dma_start3A_71 = tpu.memref_slice %arg11[%dma_start3A_69, %dma_start3A_70] : memref<10112x128xf32, #tpu.memory_space<vmem_shared>> -> memref<10112x128xf32, #tpu.memory_space<vmem_shared>>
        tpu.enqueue_indirect_dma source(%arg10 : memref<128x128xf32, #tpu.memory_space<vmem>>) target(%dma_start3A_71 : memref<10112x128xf32, #tpu.memory_space<vmem_shared>>) offsets(%dma_start3A_68 : memref<128xi32, #tpu.memory_space<vmem>>) semaphore(%run_scoped3A : memref<!tpu.dma_semaphore, #tpu.memory_space<semaphore_mem>>) {add = true}
        %dma_wait3A_72 = arith.constant 0 : i32
        %dma_wait3A_73 = tpu.memref_slice %arg8[%add3A_65, %dma_wait3A_72] : memref<40x128xi32, #tpu.memory_space<vmem>> -> memref<1x128xi32, #tpu.memory_space<vmem>>
        %dma_wait3A_74 = tpu.memref_squeeze %dma_wait3A_73 : memref<1x128xi32, #tpu.memory_space<vmem>> -> memref<128xi32, #tpu.memory_space<vmem>>
        %dma_wait3A_75 = arith.constant 0 : i32
        %dma_wait3A_76 = arith.constant 0 : i32
        %dma_wait3A_77 = tpu.memref_slice %arg11[%dma_wait3A_75, %dma_wait3A_76] : memref<10112x128xf32, #tpu.memory_space<vmem_shared>> -> memref<10112x128xf32, #tpu.memory_space<vmem_shared>>
        tpu.wait_indirect_dma semaphore(%run_scoped3A : memref<!tpu.dma_semaphore, #tpu.memory_space<semaphore_mem>>) src(%arg10 : memref<128x128xf32, #tpu.memory_space<vmem>>) dst(%dma_wait3A_77 : memref<10112x128xf32, #tpu.memory_space<vmem_shared>>)
        tpu.yield
      }) : () -> ()
    }
    %scan3A_19 = arith.constant 20 : i32
    "tpu.region"() ({
      %run_scoped3A = tpu.sem_alloc : memref<!tpu.dma_semaphore, #tpu.memory_space<semaphore_mem>>
      %dma_start3A_34 = arith.constant 40 : i32
      %dma_start3A_35 = arith.constant 0 : i32
      %dma_start3A_36 = tpu.memref_slice %arg3[%add3A, %dma_start3A_34, %dma_start3A_35] : memref<32x80x128xi32, #tpu.memory_space<hbm>> -> memref<1x40x128xi32, #tpu.memory_space<hbm>>
      %dma_start3A_37 = tpu.memref_squeeze %dma_start3A_36 : memref<1x40x128xi32, #tpu.memory_space<hbm>> -> memref<40x128xi32, #tpu.memory_space<hbm>>
      %dma_start3A_38 = arith.constant 40 : i32
      %dma_start3A_39 = arith.constant 0 : i32
      %dma_start3A_40 = tpu.memref_slice %arg3[%add3A, %dma_start3A_38, %dma_start3A_39] : memref<32x80x128xi32, #tpu.memory_space<hbm>> -> memref<1x40x128xi32, #tpu.memory_space<hbm>>
      %dma_start3A_41 = tpu.memref_squeeze %dma_start3A_40 : memref<1x40x128xi32, #tpu.memory_space<hbm>> -> memref<40x128xi32, #tpu.memory_space<hbm>>
      tpu.enqueue_dma source(%dma_start3A_41 : memref<40x128xi32, #tpu.memory_space<hbm>>) target(%arg7 : memref<40x128xi32, #tpu.memory_space<vmem>>) target_semaphore(%run_scoped3A : memref<!tpu.dma_semaphore, #tpu.memory_space<semaphore_mem>>)
      %dma_wait3A = arith.constant 40 : i32
      %dma_wait3A_42 = arith.constant 0 : i32
      %dma_wait3A_43 = tpu.memref_slice %arg3[%add3A, %dma_wait3A, %dma_wait3A_42] : memref<32x80x128xi32, #tpu.memory_space<hbm>> -> memref<1x40x128xi32, #tpu.memory_space<hbm>>
      %dma_wait3A_44 = tpu.memref_squeeze %dma_wait3A_43 : memref<1x40x128xi32, #tpu.memory_space<hbm>> -> memref<40x128xi32, #tpu.memory_space<hbm>>
      %dma_wait3A_45 = arith.constant 40 : i32
      %dma_wait3A_46 = arith.constant 0 : i32
      %dma_wait3A_47 = tpu.memref_slice %arg3[%add3A, %dma_wait3A_45, %dma_wait3A_46] : memref<32x80x128xi32, #tpu.memory_space<hbm>> -> memref<1x40x128xi32, #tpu.memory_space<hbm>>
      %dma_wait3A_48 = tpu.memref_squeeze %dma_wait3A_47 : memref<1x40x128xi32, #tpu.memory_space<hbm>> -> memref<40x128xi32, #tpu.memory_space<hbm>>
      tpu.wait_dma2 semaphore(%run_scoped3A : memref<!tpu.dma_semaphore, #tpu.memory_space<semaphore_mem>>) src(%dma_wait3A_48 : memref<40x128xi32, #tpu.memory_space<hbm>>) dst(%arg7 : memref<40x128xi32, #tpu.memory_space<vmem>>)
      tpu.yield
    }) : () -> ()
    "tpu.region"() ({
      %run_scoped3A = tpu.sem_alloc : memref<!tpu.dma_semaphore, #tpu.memory_space<semaphore_mem>>
      %dma_start3A_34 = arith.constant 40 : i32
      %dma_start3A_35 = arith.constant 0 : i32
      %dma_start3A_36 = tpu.memref_slice %arg4[%add3A, %dma_start3A_34, %dma_start3A_35] : memref<32x80x128xi32, #tpu.memory_space<hbm>> -> memref<1x40x128xi32, #tpu.memory_space<hbm>>
      %dma_start3A_37 = tpu.memref_squeeze %dma_start3A_36 : memref<1x40x128xi32, #tpu.memory_space<hbm>> -> memref<40x128xi32, #tpu.memory_space<hbm>>
      %dma_start3A_38 = arith.constant 40 : i32
      %dma_start3A_39 = arith.constant 0 : i32
      %dma_start3A_40 = tpu.memref_slice %arg4[%add3A, %dma_start3A_38, %dma_start3A_39] : memref<32x80x128xi32, #tpu.memory_space<hbm>> -> memref<1x40x128xi32, #tpu.memory_space<hbm>>
      %dma_start3A_41 = tpu.memref_squeeze %dma_start3A_40 : memref<1x40x128xi32, #tpu.memory_space<hbm>> -> memref<40x128xi32, #tpu.memory_space<hbm>>
      tpu.enqueue_dma source(%dma_start3A_41 : memref<40x128xi32, #tpu.memory_space<hbm>>) target(%arg8 : memref<40x128xi32, #tpu.memory_space<vmem>>) target_semaphore(%run_scoped3A : memref<!tpu.dma_semaphore, #tpu.memory_space<semaphore_mem>>)
      %dma_wait3A = arith.constant 40 : i32
      %dma_wait3A_42 = arith.constant 0 : i32
      %dma_wait3A_43 = tpu.memref_slice %arg4[%add3A, %dma_wait3A, %dma_wait3A_42] : memref<32x80x128xi32, #tpu.memory_space<hbm>> -> memref<1x40x128xi32, #tpu.memory_space<hbm>>
      %dma_wait3A_44 = tpu.memref_squeeze %dma_wait3A_43 : memref<1x40x128xi32, #tpu.memory_space<hbm>> -> memref<40x128xi32, #tpu.memory_space<hbm>>
      %dma_wait3A_45 = arith.constant 40 : i32
      %dma_wait3A_46 = arith.constant 0 : i32
      %dma_wait3A_47 = tpu.memref_slice %arg4[%add3A, %dma_wait3A_45, %dma_wait3A_46] : memref<32x80x128xi32, #tpu.memory_space<hbm>> -> memref<1x40x128xi32, #tpu.memory_space<hbm>>
      %dma_wait3A_48 = tpu.memref_squeeze %dma_wait3A_47 : memref<1x40x128xi32, #tpu.memory_space<hbm>> -> memref<40x128xi32, #tpu.memory_space<hbm>>
      tpu.wait_dma2 semaphore(%run_scoped3A : memref<!tpu.dma_semaphore, #tpu.memory_space<semaphore_mem>>) src(%dma_wait3A_48 : memref<40x128xi32, #tpu.memory_space<hbm>>) dst(%arg8 : memref<40x128xi32, #tpu.memory_space<vmem>>)
      tpu.yield
    }) : () -> ()
    %dma_start3A_20 = arith.constant 0 : i32
    %dma_start3A_21 = arith.constant 0 : i32
    %dma_start3A_22 = tpu.memref_slice %arg7[%dma_start3A_20, %dma_start3A_21] : memref<40x128xi32, #tpu.memory_space<vmem>> -> memref<1x128xi32, #tpu.memory_space<vmem>>
    %dma_start3A_23 = tpu.memref_squeeze %dma_start3A_22 : memref<1x128xi32, #tpu.memory_space<vmem>> -> memref<128xi32, #tpu.memory_space<vmem>>
    %dma_start3A_24 = arith.constant 0 : i32
    %dma_start3A_25 = arith.constant 0 : i32
    %dma_start3A_26 = tpu.memref_slice %arg2[%dma_start3A_24, %dma_start3A_25] : memref<10112x128xf32, #tpu.memory_space<hbm>> -> memref<10112x128xf32, #tpu.memory_space<hbm>>
    tpu.enqueue_indirect_dma source(%dma_start3A_26 : memref<10112x128xf32, #tpu.memory_space<hbm>>) target(%arg9 : memref<128x128xf32, #tpu.memory_space<vmem>>) offsets(%dma_start3A_23 : memref<128xi32, #tpu.memory_space<vmem>>) semaphore(%arg12 : memref<!tpu.dma_semaphore, #tpu.memory_space<semaphore_mem>>)
    %scan3A_27 = arith.constant 0 : i32
    %scan3A_28 = arith.constant 0 : i32
    %scan3A_29 = arith.constant 20 : i32
    %scan3A_30 = arith.addi %scan3A_28, %scan3A_29 : i32
    %scan3A_31 = arith.constant 1 : i32
    scf.for %scan3A_34 = %scan3A_28 to %scan3A_30 step %scan3A_31  : i32 {
      %mul3A_35 = arith.constant 2 : i32
      %mul3A_36 = arith.muli %scan3A_34, %mul3A_35 : i32
      %add3A_37 = arith.constant 1 : i32
      %add3A_38 = arith.addi %mul3A_36, %add3A_37 : i32
      %dma_start3A_39 = arith.constant 0 : i32
      %dma_start3A_40 = tpu.memref_slice %arg7[%add3A_38, %dma_start3A_39] : memref<40x128xi32, #tpu.memory_space<vmem>> -> memref<1x128xi32, #tpu.memory_space<vmem>>
      %dma_start3A_41 = tpu.memref_squeeze %dma_start3A_40 : memref<1x128xi32, #tpu.memory_space<vmem>> -> memref<128xi32, #tpu.memory_space<vmem>>
      %dma_start3A_42 = arith.constant 0 : i32
      %dma_start3A_43 = arith.constant 0 : i32
      %dma_start3A_44 = tpu.memref_slice %arg2[%dma_start3A_42, %dma_start3A_43] : memref<10112x128xf32, #tpu.memory_space<hbm>> -> memref<10112x128xf32, #tpu.memory_space<hbm>>
      tpu.enqueue_indirect_dma source(%dma_start3A_44 : memref<10112x128xf32, #tpu.memory_space<hbm>>) target(%arg10 : memref<128x128xf32, #tpu.memory_space<vmem>>) offsets(%dma_start3A_41 : memref<128xi32, #tpu.memory_space<vmem>>) semaphore(%arg13 : memref<!tpu.dma_semaphore, #tpu.memory_space<semaphore_mem>>)
      %dma_wait3A = arith.constant 0 : i32
      %dma_wait3A_45 = tpu.memref_slice %arg7[%mul3A_36, %dma_wait3A] : memref<40x128xi32, #tpu.memory_space<vmem>> -> memref<1x128xi32, #tpu.memory_space<vmem>>
      %dma_wait3A_46 = tpu.memref_squeeze %dma_wait3A_45 : memref<1x128xi32, #tpu.memory_space<vmem>> -> memref<128xi32, #tpu.memory_space<vmem>>
      %dma_wait3A_47 = arith.constant 0 : i32
      %dma_wait3A_48 = arith.constant 0 : i32
      %dma_wait3A_49 = tpu.memref_slice %arg2[%dma_wait3A_47, %dma_wait3A_48] : memref<10112x128xf32, #tpu.memory_space<hbm>> -> memref<10112x128xf32, #tpu.memory_space<hbm>>
      tpu.wait_indirect_dma semaphore(%arg12 : memref<!tpu.dma_semaphore, #tpu.memory_space<semaphore_mem>>) src(%dma_wait3A_49 : memref<10112x128xf32, #tpu.memory_space<hbm>>) dst(%arg9 : memref<128x128xf32, #tpu.memory_space<vmem>>)
      "tpu.region"() ({
        %run_scoped3A = tpu.sem_alloc : memref<!tpu.dma_semaphore, #tpu.memory_space<semaphore_mem>>
        %dma_start3A_66 = arith.constant 0 : i32
        %dma_start3A_67 = tpu.memref_slice %arg8[%mul3A_36, %dma_start3A_66] : memref<40x128xi32, #tpu.memory_space<vmem>> -> memref<1x128xi32, #tpu.memory_space<vmem>>
        %dma_start3A_68 = tpu.memref_squeeze %dma_start3A_67 : memref<1x128xi32, #tpu.memory_space<vmem>> -> memref<128xi32, #tpu.memory_space<vmem>>
        %dma_start3A_69 = arith.constant 0 : i32
        %dma_start3A_70 = arith.constant 0 : i32
        %dma_start3A_71 = tpu.memref_slice %arg11[%dma_start3A_69, %dma_start3A_70] : memref<10112x128xf32, #tpu.memory_space<vmem_shared>> -> memref<10112x128xf32, #tpu.memory_space<vmem_shared>>
        tpu.enqueue_indirect_dma source(%arg9 : memref<128x128xf32, #tpu.memory_space<vmem>>) target(%dma_start3A_71 : memref<10112x128xf32, #tpu.memory_space<vmem_shared>>) offsets(%dma_start3A_68 : memref<128xi32, #tpu.memory_space<vmem>>) semaphore(%run_scoped3A : memref<!tpu.dma_semaphore, #tpu.memory_space<semaphore_mem>>) {add = true}
        %dma_wait3A_72 = arith.constant 0 : i32
        %dma_wait3A_73 = tpu.memref_slice %arg8[%mul3A_36, %dma_wait3A_72] : memref<40x128xi32, #tpu.memory_space<vmem>> -> memref<1x128xi32, #tpu.memory_space<vmem>>
        %dma_wait3A_74 = tpu.memref_squeeze %dma_wait3A_73 : memref<1x128xi32, #tpu.memory_space<vmem>> -> memref<128xi32, #tpu.memory_space<vmem>>
        %dma_wait3A_75 = arith.constant 0 : i32
        %dma_wait3A_76 = arith.constant 0 : i32
        %dma_wait3A_77 = tpu.memref_slice %arg11[%dma_wait3A_75, %dma_wait3A_76] : memref<10112x128xf32, #tpu.memory_space<vmem_shared>> -> memref<10112x128xf32, #tpu.memory_space<vmem_shared>>
        tpu.wait_indirect_dma semaphore(%run_scoped3A : memref<!tpu.dma_semaphore, #tpu.memory_space<semaphore_mem>>) src(%arg9 : memref<128x128xf32, #tpu.memory_space<vmem>>) dst(%dma_wait3A_77 : memref<10112x128xf32, #tpu.memory_space<vmem_shared>>)
        tpu.yield
      }) : () -> ()
      %add3A_50 = arith.constant 2 : i32
      %add3A_51 = arith.addi %mul3A_36, %add3A_50 : i32
      %lt3A = arith.constant 40 : i32
      %lt3A_52 = arith.cmpi slt, %add3A_51, %lt3A : i32
      %convert_element_type3A_53 = arith.extui %lt3A_52 : i1 to i32
      %cond3A_54 = arith.constant 0 : i32
      %cond3A_55 = arith.cmpi ne, %convert_element_type3A_53, %cond3A_54 : i32
      scf.if %cond3A_55 {
        %add3A_66 = arith.constant 2 : i32
        %add3A_67 = arith.addi %mul3A_36, %add3A_66 : i32
        %dma_start3A_68 = arith.constant 0 : i32
        %dma_start3A_69 = tpu.memref_slice %arg7[%add3A_67, %dma_start3A_68] : memref<40x128xi32, #tpu.memory_space<vmem>> -> memref<1x128xi32, #tpu.memory_space<vmem>>
        %dma_start3A_70 = tpu.memref_squeeze %dma_start3A_69 : memref<1x128xi32, #tpu.memory_space<vmem>> -> memref<128xi32, #tpu.memory_space<vmem>>
        %dma_start3A_71 = arith.constant 0 : i32
        %dma_start3A_72 = arith.constant 0 : i32
        %dma_start3A_73 = tpu.memref_slice %arg2[%dma_start3A_71, %dma_start3A_72] : memref<10112x128xf32, #tpu.memory_space<hbm>> -> memref<10112x128xf32, #tpu.memory_space<hbm>>
        tpu.enqueue_indirect_dma source(%dma_start3A_73 : memref<10112x128xf32, #tpu.memory_space<hbm>>) target(%arg9 : memref<128x128xf32, #tpu.memory_space<vmem>>) offsets(%dma_start3A_70 : memref<128xi32, #tpu.memory_space<vmem>>) semaphore(%arg12 : memref<!tpu.dma_semaphore, #tpu.memory_space<semaphore_mem>>)
      } else {
      }
      %add3A_56 = arith.constant 1 : i32
      %add3A_57 = arith.addi %mul3A_36, %add3A_56 : i32
      %dma_wait3A_58 = arith.constant 0 : i32
      %dma_wait3A_59 = tpu.memref_slice %arg7[%add3A_57, %dma_wait3A_58] : memref<40x128xi32, #tpu.memory_space<vmem>> -> memref<1x128xi32, #tpu.memory_space<vmem>>
      %dma_wait3A_60 = tpu.memref_squeeze %dma_wait3A_59 : memref<1x128xi32, #tpu.memory_space<vmem>> -> memref<128xi32, #tpu.memory_space<vmem>>
      %dma_wait3A_61 = arith.constant 0 : i32
      %dma_wait3A_62 = arith.constant 0 : i32
      %dma_wait3A_63 = tpu.memref_slice %arg2[%dma_wait3A_61, %dma_wait3A_62] : memref<10112x128xf32, #tpu.memory_space<hbm>> -> memref<10112x128xf32, #tpu.memory_space<hbm>>
      tpu.wait_indirect_dma semaphore(%arg13 : memref<!tpu.dma_semaphore, #tpu.memory_space<semaphore_mem>>) src(%dma_wait3A_63 : memref<10112x128xf32, #tpu.memory_space<hbm>>) dst(%arg10 : memref<128x128xf32, #tpu.memory_space<vmem>>)
      %add3A_64 = arith.constant 1 : i32
      %add3A_65 = arith.addi %mul3A_36, %add3A_64 : i32
      "tpu.region"() ({
        %run_scoped3A = tpu.sem_alloc : memref<!tpu.dma_semaphore, #tpu.memory_space<semaphore_mem>>
        %dma_start3A_66 = arith.constant 0 : i32
        %dma_start3A_67 = tpu.memref_slice %arg8[%add3A_65, %dma_start3A_66] : memref<40x128xi32, #tpu.memory_space<vmem>> -> memref<1x128xi32, #tpu.memory_space<vmem>>
        %dma_start3A_68 = tpu.memref_squeeze %dma_start3A_67 : memref<1x128xi32, #tpu.memory_space<vmem>> -> memref<128xi32, #tpu.memory_space<vmem>>
        %dma_start3A_69 = arith.constant 0 : i32
        %dma_start3A_70 = arith.constant 0 : i32
        %dma_start3A_71 = tpu.memref_slice %arg11[%dma_start3A_69, %dma_start3A_70] : memref<10112x128xf32, #tpu.memory_space<vmem_shared>> -> memref<10112x128xf32, #tpu.memory_space<vmem_shared>>
        tpu.enqueue_indirect_dma source(%arg10 : memref<128x128xf32, #tpu.memory_space<vmem>>) target(%dma_start3A_71 : memref<10112x128xf32, #tpu.memory_space<vmem_shared>>) offsets(%dma_start3A_68 : memref<128xi32, #tpu.memory_space<vmem>>) semaphore(%run_scoped3A : memref<!tpu.dma_semaphore, #tpu.memory_space<semaphore_mem>>) {add = true}
        %dma_wait3A_72 = arith.constant 0 : i32
        %dma_wait3A_73 = tpu.memref_slice %arg8[%add3A_65, %dma_wait3A_72] : memref<40x128xi32, #tpu.memory_space<vmem>> -> memref<1x128xi32, #tpu.memory_space<vmem>>
        %dma_wait3A_74 = tpu.memref_squeeze %dma_wait3A_73 : memref<1x128xi32, #tpu.memory_space<vmem>> -> memref<128xi32, #tpu.memory_space<vmem>>
        %dma_wait3A_75 = arith.constant 0 : i32
        %dma_wait3A_76 = arith.constant 0 : i32
        %dma_wait3A_77 = tpu.memref_slice %arg11[%dma_wait3A_75, %dma_wait3A_76] : memref<10112x128xf32, #tpu.memory_space<vmem_shared>> -> memref<10112x128xf32, #tpu.memory_space<vmem_shared>>
        tpu.wait_indirect_dma semaphore(%run_scoped3A : memref<!tpu.dma_semaphore, #tpu.memory_space<semaphore_mem>>) src(%arg10 : memref<128x128xf32, #tpu.memory_space<vmem>>) dst(%dma_wait3A_77 : memref<10112x128xf32, #tpu.memory_space<vmem_shared>>)
        tpu.yield
      }) : () -> ()
    }
    %scan3A_32 = arith.constant 20 : i32
    %barrier3A_33 = arith.constant 0 : index
    tpu.barrier barrier_id(%barrier3A_33)
    "tpu.region"() ({
      %run_scoped3A = tpu.sem_alloc : memref<!tpu.dma_semaphore, #tpu.memory_space<semaphore_mem>>
      %dma_start3A_34 = arith.constant 0 : i32
      %dma_start3A_35 = tpu.memref_slice %arg6[%arg0, %multiple_of3A, %dma_start3A_34] : memref<2x10112x128xf32, #tpu.memory_space<hbm>> -> memref<1x632x128xf32, #tpu.memory_space<hbm>>
      %dma_start3A_36 = tpu.memref_squeeze %dma_start3A_35 : memref<1x632x128xf32, #tpu.memory_space<hbm>> -> memref<632x128xf32, #tpu.memory_space<hbm>>
      %dma_start3A_37 = arith.constant 0 : i32
      %dma_start3A_38 = tpu.memref_slice %arg11[%multiple_of3A, %dma_start3A_37] : memref<10112x128xf32, #tpu.memory_space<vmem_shared>> -> memref<632x128xf32, #tpu.memory_space<vmem_shared>>
      tpu.enqueue_dma source(%dma_start3A_38 : memref<632x128xf32, #tpu.memory_space<vmem_shared>>) target(%dma_start3A_36 : memref<632x128xf32, #tpu.memory_space<hbm>>) target_semaphore(%run_scoped3A : memref<!tpu.dma_semaphore, #tpu.memory_space<semaphore_mem>>)
      %dma_wait3A = arith.constant 0 : i32
      %dma_wait3A_39 = tpu.memref_slice %arg6[%arg0, %multiple_of3A, %dma_wait3A] : memref<2x10112x128xf32, #tpu.memory_space<hbm>> -> memref<1x632x128xf32, #tpu.memory_space<hbm>>
      %dma_wait3A_40 = tpu.memref_squeeze %dma_wait3A_39 : memref<1x632x128xf32, #tpu.memory_space<hbm>> -> memref<632x128xf32, #tpu.memory_space<hbm>>
      %dma_wait3A_41 = arith.constant 0 : i32
      %dma_wait3A_42 = tpu.memref_slice %arg11[%multiple_of3A, %dma_wait3A_41] : memref<10112x128xf32, #tpu.memory_space<vmem_shared>> -> memref<632x128xf32, #tpu.memory_space<vmem_shared>>
      tpu.wait_dma2 semaphore(%run_scoped3A : memref<!tpu.dma_semaphore, #tpu.memory_space<semaphore_mem>>) src(%dma_wait3A_42 : memref<632x128xf32, #tpu.memory_space<vmem_shared>>) dst(%dma_wait3A_40 : memref<632x128xf32, #tpu.memory_space<hbm>>)
      tpu.yield
    }) : () -> ()
    return
  }
}

module attributes {stable_mosaic.version = 14 : i64} {
  func.func @_tc1_body(%arg0: i32, %arg1: memref<632x128xf32, #tpu.memory_space<vmem>>, %arg2: memref<128x128xf32, #tpu.memory_space<vmem>>, %arg3: memref<632x1xf32, #tpu.memory_space<vmem>>, %arg4: memref<632x128xf32, #tpu.memory_space<vmem>>) attributes {dimension_semantics = [#tpu.dimension_semantics<arbitrary>], iteration_bounds = array<i64: 16>, scalar_prefetch = 0 : i64, scratch_operands = 0 : i64, tpu.core_type = #tpu.core_type<tc>, window_params = [{transform_indices = @transform_0, window_bounds = array<i64: 632, 128>}, {pipeline_mode = #tpu.pipeline_mode<synchronous>, transform_indices = @transform_1, window_bounds = array<i64: 128, 128>}, {transform_indices = @transform_2, window_bounds = array<i64: 632, 1>}, {transform_indices = @transform_3, window_bounds = array<i64: 632, 128>}]} {
    %get3A = arith.constant 0 : index
    %get3A_0 = arith.constant 0 : index
    %get3A_1 = vector.load %arg3[%get3A, %get3A_0] : memref<632x1xf32, #tpu.memory_space<vmem>>, vector<632x1xf32>
    %add3A = arith.constant 1.000000e+00 : f32
    %add3A_2 = vector.broadcast %add3A : f32 to vector<632x1xf32>
    %add3A_3 = arith.addf %get3A_1, %add3A_2 : vector<632x1xf32>
    %rsqrt3A = math.rsqrt %add3A_3 : vector<632x1xf32>
    %get3A_4 = arith.constant 0 : index
    %get3A_5 = arith.constant 0 : index
    %get3A_6 = vector.load %arg1[%get3A_4, %get3A_5] : memref<632x128xf32, #tpu.memory_space<vmem>>, vector<632x128xf32>
    %get3A_7 = arith.constant 0 : index
    %get3A_8 = arith.constant 0 : index
    %get3A_9 = vector.load %arg2[%get3A_7, %get3A_8] : memref<128x128xf32, #tpu.memory_space<vmem>>, vector<128x128xf32>
    %dot_general3A = arith.constant dense<0.000000e+00> : vector<632x128xf32>
    %dot_general3A_10 = tpu.matmul %get3A_6, %get3A_9, %dot_general3A {dimension_numbers = #tpu.dot_dimension_numbers<[1], [0], [0], [1], [0, 0, 1, 1], [], []>, transpose_lhs_hint = false} : vector<632x128xf32>, vector<128x128xf32>, vector<632x128xf32> -> vector<632x128xf32>
    %mul3A = vector.broadcast %rsqrt3A : vector<632x1xf32> to vector<632x128xf32>
    %mul3A_11 = arith.mulf %dot_general3A_10, %mul3A : vector<632x128xf32>
    %swap3A = arith.constant 0 : index
    %swap3A_12 = arith.constant 0 : index
    %swap3A_13 = vector.load %arg4[%swap3A, %swap3A_12] : memref<632x128xf32, #tpu.memory_space<vmem>>, vector<632x128xf32>
    tpu.vector_store %arg4[%swap3A, %swap3A_12], %mul3A_11 {strides = array<i32>} : memref<632x128xf32, #tpu.memory_space<vmem>>, vector<632x128xf32>,
    return
  }
  func.func @transform_0(%arg0: i32) -> (i32, i32) {
    %c0_i32 = arith.constant 0 : i32
    %c0_i32_0 = arith.constant 0 : i32
    return %arg0, %c0_i32 : i32, i32
  }
  func.func @transform_1(%arg0: i32) -> (i32, i32) {
    %c0_i32 = arith.constant 0 : i32
    %c0_i32_0 = arith.constant 0 : i32
    %c0_i32_1 = arith.constant 0 : i32
    return %c0_i32, %c0_i32_0 : i32, i32
  }
  func.func @transform_2(%arg0: i32) -> (i32, i32) {
    %c0_i32 = arith.constant 0 : i32
    %c0_i32_0 = arith.constant 0 : i32
    return %arg0, %c0_i32 : i32, i32
  }
  func.func @transform_3(%arg0: i32) -> (i32, i32) {
    %c0_i32 = arith.constant 0 : i32
    %c0_i32_0 = arith.constant 0 : i32
    return %arg0, %c0_i32 : i32, i32
  }
}

module attributes {stable_mosaic.version = 14 : i64} {
  func.func @_tc_mid_body(%arg0: i32, %arg1: memref<632x128xf32, #tpu.memory_space<vmem>>, %arg2: memref<632x128xf32, #tpu.memory_space<vmem>>, %arg3: memref<632x1xf32, #tpu.memory_space<vmem>>, %arg4: memref<1x128xf32, #tpu.memory_space<vmem>>, %arg5: memref<128x128xf32, #tpu.memory_space<vmem>>, %arg6: memref<632x128xf32, #tpu.memory_space<vmem>>, %arg7: memref<632x128xf32, #tpu.memory_space<vmem>>) attributes {dimension_semantics = [#tpu.dimension_semantics<arbitrary>], iteration_bounds = array<i64: 16>, scalar_prefetch = 0 : i64, scratch_operands = 0 : i64, tpu.core_type = #tpu.core_type<tc>, window_params = [{transform_indices = @transform_0, window_bounds = array<i64: 632, 128>}, {transform_indices = @transform_1, window_bounds = array<i64: 632, 128>}, {transform_indices = @transform_2, window_bounds = array<i64: 632, 1>}, {pipeline_mode = #tpu.pipeline_mode<synchronous>, transform_indices = @transform_3, window_bounds = array<i64: 1, 128>}, {pipeline_mode = #tpu.pipeline_mode<synchronous>, transform_indices = @transform_4, window_bounds = array<i64: 128, 128>}, {transform_indices = @transform_5, window_bounds = array<i64: 632, 128>}, {transform_indices = @transform_6, window_bounds = array<i64: 632, 128>}]} {
    %get3A = arith.constant 0 : index
    %get3A_0 = arith.constant 0 : index
    %get3A_1 = vector.load %arg3[%get3A, %get3A_0] : memref<632x1xf32, #tpu.memory_space<vmem>>, vector<632x1xf32>
    %add3A = arith.constant 1.000000e+00 : f32
    %add3A_2 = vector.broadcast %add3A : f32 to vector<632x1xf32>
    %add3A_3 = arith.addf %get3A_1, %add3A_2 : vector<632x1xf32>
    %rsqrt3A = math.rsqrt %add3A_3 : vector<632x1xf32>
    %get3A_4 = arith.constant 0 : index
    %get3A_5 = arith.constant 0 : index
    %get3A_6 = vector.load %arg1[%get3A_4, %get3A_5] : memref<632x128xf32, #tpu.memory_space<vmem>>, vector<632x128xf32>
    %get3A_7 = arith.constant 0 : index
    %get3A_8 = arith.constant 0 : index
    %get3A_9 = vector.load %arg2[%get3A_7, %get3A_8] : memref<632x128xf32, #tpu.memory_space<vmem>>, vector<632x128xf32>
    %add3A_10 = arith.addf %get3A_6, %get3A_9 : vector<632x128xf32>
    %mul3A = vector.broadcast %rsqrt3A : vector<632x1xf32> to vector<632x128xf32>
    %mul3A_11 = arith.mulf %add3A_10, %mul3A : vector<632x128xf32>
    %get3A_12 = arith.constant 0 : index
    %get3A_13 = arith.constant 0 : index
    %get3A_14 = vector.load %arg4[%get3A_12, %get3A_13] : memref<1x128xf32, #tpu.memory_space<vmem>>, vector<1x128xf32>
    %add3A_15 = vector.broadcast %get3A_14 : vector<1x128xf32> to vector<632x128xf32>
    %add3A_16 = arith.addf %mul3A_11, %add3A_15 : vector<632x128xf32>
    %swap3A = arith.constant 0 : index
    %swap3A_17 = arith.constant 0 : index
    %swap3A_18 = vector.load %arg6[%swap3A, %swap3A_17] : memref<632x128xf32, #tpu.memory_space<vmem>>, vector<632x128xf32>
    tpu.vector_store %arg6[%swap3A, %swap3A_17], %add3A_16 {strides = array<i32>} : memref<632x128xf32, #tpu.memory_space<vmem>>, vector<632x128xf32>,
    %max3A = arith.constant 0.000000e+00 : f32
    %max3A_19 = vector.broadcast %max3A : f32 to vector<632x128xf32>
    %max3A_20 = arith.maximumf %add3A_16, %max3A_19 : vector<632x128xf32>
    %get3A_21 = arith.constant 0 : index
    %get3A_22 = arith.constant 0 : index
    %get3A_23 = vector.load %arg5[%get3A_21, %get3A_22] : memref<128x128xf32, #tpu.memory_space<vmem>>, vector<128x128xf32>
    %dot_general3A = arith.constant dense<0.000000e+00> : vector<632x128xf32>
    %dot_general3A_24 = tpu.matmul %max3A_20, %get3A_23, %dot_general3A {dimension_numbers = #tpu.dot_dimension_numbers<[1], [0], [0], [1], [0, 0, 1, 1], [], []>, transpose_lhs_hint = false} : vector<632x128xf32>, vector<128x128xf32>, vector<632x128xf32> -> vector<632x128xf32>
    %mul3A_25 = vector.broadcast %rsqrt3A : vector<632x1xf32> to vector<632x128xf32>
    %mul3A_26 = arith.mulf %dot_general3A_24, %mul3A_25 : vector<632x128xf32>
    %swap3A_27 = arith.constant 0 : index
    %swap3A_28 = arith.constant 0 : index
    %swap3A_29 = vector.load %arg7[%swap3A_27, %swap3A_28] : memref<632x128xf32, #tpu.memory_space<vmem>>, vector<632x128xf32>
    tpu.vector_store %arg7[%swap3A_27, %swap3A_28], %mul3A_26 {strides = array<i32>} : memref<632x128xf32, #tpu.memory_space<vmem>>, vector<632x128xf32>,
    return
  }
  func.func @transform_0(%arg0: i32) -> (i32, i32) {
    %c0_i32 = arith.constant 0 : i32
    %c0_i32_0 = arith.constant 0 : i32
    return %arg0, %c0_i32 : i32, i32
  }
  func.func @transform_1(%arg0: i32) -> (i32, i32) {
    %c0_i32 = arith.constant 0 : i32
    %c0_i32_0 = arith.constant 0 : i32
    return %arg0, %c0_i32 : i32, i32
  }
  func.func @transform_2(%arg0: i32) -> (i32, i32) {
    %c0_i32 = arith.constant 0 : i32
    %c0_i32_0 = arith.constant 0 : i32
    return %arg0, %c0_i32 : i32, i32
  }
  func.func @transform_3(%arg0: i32) -> (i32, i32) {
    %c0_i32 = arith.constant 0 : i32
    %c0_i32_0 = arith.constant 0 : i32
    %c0_i32_1 = arith.constant 0 : i32
    return %c0_i32, %c0_i32_0 : i32, i32
  }
  func.func @transform_4(%arg0: i32) -> (i32, i32) {
    %c0_i32 = arith.constant 0 : i32
    %c0_i32_0 = arith.constant 0 : i32
    %c0_i32_1 = arith.constant 0 : i32
    return %c0_i32, %c0_i32_0 : i32, i32
  }
  func.func @transform_5(%arg0: i32) -> (i32, i32) {
    %c0_i32 = arith.constant 0 : i32
    %c0_i32_0 = arith.constant 0 : i32
    return %arg0, %c0_i32 : i32, i32
  }
  func.func @transform_6(%arg0: i32) -> (i32, i32) {
    %c0_i32 = arith.constant 0 : i32
    %c0_i32_0 = arith.constant 0 : i32
    return %arg0, %c0_i32 : i32, i32
  }
}

</mosaic_0001>

<sc_bundles>
// kernel: closed_call.12.cloned.1.call-start
scs
__scs_entry_jumppad:
0x0: {  	(pc) =	sbr.rel $0x88, $3  }
0x1: {  	(tag) =	ssettag $0x0;
	lr =	simm.s32 $0x1  }
0x2: {  	[smem:$0x3F9B] =	sst lr;
	_ =	strace $0xD0000000  }
0x3: {  	_ = 	snop  }
0x4: {  	_ = 	snop  }
0x5: {  	_ = 	snop  }
0x6: {  	_ = 	snop  }
0x7: {  	_ = 	snop  }
__scs_overlays_trampoline_lowered:
0x8: {  	[smem:$0x3FAA] =	sst s0  }
0x9: {  	[smem:$0x3FAB] =	sst s1  }
0xa: {  	[smem:$0x3FAC] =	sst s2  }
0xb: {  	[smem:$0x3FAD] =	sst s3  }
0xc: {  	[smem:$0x3FAE] =	sst s4  }
0xd: {  	[smem:$0x3FAF] =	sst s5  }
0xe: {  	[smem:$0x3FB0] =	sst s6  }
0xf: {  	[smem:$0x3FB1] =	sst s7  }
0x10: {  	[smem:$0x3FB2] =	sst s8  }
0x11: {  	[smem:$0x3FB3] =	sst s9;
	s0 =	simm.s32 @!p0 $0x0  }
0x12: {  	s1 =	sld [smem:$0x3F99];
	s0 =	simm.s32 @p0 $0x1  }
0x13: {  	[smem:$0x3FB4] =	sst s0;
	s0 =	simm.s32 @!p1 $0x0  }
0x14: {  	s2 =	sld [smem:$0x3F98];
	s0 =	simm.s32 @p1 $0x1  }
0x15: {  	[smem:$0x3FB5] =	sst s0;
	s0 =	simm.s32 @!p2 $0x0  }
0x16: {  	s3 =	sld [smem:$0x3FDB];
	s0 =	simm.s32 @p2 $0x1  }
0x17: {  	s4 =	simm.s32 $0x1BF5;
	[smem:$0x3FB7] =	sst s0  }
0x18: {  	s0 =	sld [smem:$0x3F9A];
	_ =	swait.ge [sflag:s4], $0x0  }
0x19: {  	s7 =	sld [smem:$0x3F9B]  }
0x1a: {  	s8 =	sadd.s32 $0xFFFFE003, lr  }
0x1b: {  	s9 =	sadd.s32 $0xFFFFFEF7, lr;
	s5 =	simm.s32 $0xFFFFFFFF;
	p2 =	slt.u32 s8, $0xFFFFF086  }
0x1c: {  	p1 =	slt.u32 s9, $0xF7A;
	s5 =	simm.s32 @!p2 $0x0  }
0x1d: {  	s5 =	simm.s32 @p1 $0x1;
	p0 =	seq.s32 s7, s2  }
0x1e: {  	s7 =	smul.u32 @!p0 $0xF7A, s2;
	p2 =	seq.s32 @!p0 s5, $0x0  }
0x1f: {  	s9 =	smul.u32 $0xF7A, s1;
	s8 =	simm.s32 @!p0 $0x1BF5;
	p2 =	por !p2, p0  }
0x20: {  	[sflag:s8] =	ssyncset.s32 @!p0 $0xFFFFF086;
	s6 =	sadd.s32 @!p0 s3, s7;
	s7 =	simm.s32 @!p0 $0x108  }
0x21: {  	s3 =	sadd.s32 s3, s9;
	s6 =	sadd.s32 @!p0 $0x88, s6;
	s7 =	simm.s32 @p2 $0x1082  }
0x22: {  	[simem:s7], [sflag:s8] =	dma.local @!p0 [hbm:s6], $0xF7A  }
0x23: {  	s9 =	sor.u32 $0xD0000000, s2;
	s6 =	simm.s32 $0x108;
	_ =	swait.ge @!p0 [sflag:s8], $0x0  }
0x24: {  	s3 =	sadd.s32 $0x88, s3;
	s6 =	simm.s32 @!p1 $0x1082;
	[sflag:s4] =	ssyncset.s32 $0xFFFFF086  }
0x25: {  	[simem:s6], [sflag:s4] =	dma.local [hbm:s3], $0xF7A  }
0x26: {  	[smem:$0x3F9B] =	sst s1;
	(tag) =	ssettag s2;
	_ =	strace s9  }
0x27: {  	s1 =	sld [smem:$0x3FAB]  }
0x28: {  	s2 =	sld [smem:$0x3FAC]  }
0x29: {  	s4 =	sld [smem:$0x3FAE]  }
0x2a: {  	p0 =	seq.s32 s5, $0x0;
	s5 =	sld [smem:$0x3FAF]  }
0x2b: {  	s6 =	sld [smem:$0x3FB0]  }
0x2c: {  	s7 =	sld [smem:$0x3FB1]  }
0x2d: {  	s3 =	simm.s32 $0x108;
	s8 =	sld [smem:$0x3FB2]  }
0x2e: {  	s3 =	simm.s32 @!p0 $0x1082;
	s9 =	sld [smem:$0x3FB3]  }
0x2f: {  	lr =	sadd.s32 s0, s3;
	s0 =	sld [smem:$0x3FAA]  }
0x30: {  	s3 =	sld [smem:$0x3FAD]  }
0x31: {  	[smem:$0x3FB6] =	sst s10  }
0x32: {  	s10 =	sld [smem:$0x3FB4];
	_ =	sdelay $0x3  }
0x33: {  	p0 =	seq.s32 s10, $0x1;
	s10 =	sld [smem:$0x3FB6];
	_ =	sdelay $0x3  }
0x34: {  	[smem:$0x3FB6] =	sst s10  }
0x35: {  	s10 =	sld [smem:$0x3FB5];
	_ =	sdelay $0x3  }
0x36: {  	p1 =	seq.s32 s10, $0x1;
	s10 =	sld [smem:$0x3FB6];
	_ =	sdelay $0x3  }
0x37: {  	[smem:$0x3FB6] =	sst s10  }
0x38: {  	s10 =	sld [smem:$0x3FB7]  }
0x39: {  	_ = 	snop;
	(pc) =	sbr.ind lr, $3  }
0x3a: {  	_ = 	snop  }
0x3b: {  	_ = 	snop  }
0x3c: {  	p2 =	seq.s32 s10, $0x1;
	s10 =	sld [smem:$0x3FB6]  }
0x3d: {  	_ =	shalt  }
0x3e: {  	_ =	shalt  }
0x3f: {  	_ =	shalt  }
0x40: {  	_ =	shalt  }
0x41: {  	_ =	shalt  }
0x42: {  	_ =	shalt  }
0x43: {  	_ =	shalt  }
0x44: {  	_ =	shalt  }
0x45: {  	_ =	shalt  }
0x46: {  	_ =	shalt  }
0x47: {  	_ =	shalt  }
0x48: {  	_ =	shalt  }
0x49: {  	_ =	shalt  }
0x4a: {  	_ =	shalt  }
0x4b: {  	_ =	shalt  }
0x4c: {  	_ =	shalt  }
0x4d: {  	_ =	shalt  }
0x4e: {  	_ =	shalt  }
0x4f: {  	_ =	shalt  }
0x50: {  	_ =	shalt  }
0x51: {  	_ =	shalt  }
0x52: {  	_ =	shalt  }
0x53: {  	_ =	shalt  }
0x54: {  	_ =	shalt  }
0x55: {  	_ =	shalt  }
0x56: {  	_ =	shalt  }
0x57: {  	_ =	shalt  }
0x58: {  	_ =	shalt  }
0x59: {  	_ =	shalt  }
0x5a: {  	_ =	shalt  }
0x5b: {  	_ =	shalt  }
0x5c: {  	_ =	shalt  }
0x5d: {  	_ =	shalt  }
0x5e: {  	_ =	shalt  }
0x5f: {  	_ =	shalt  }
0x60: {  	_ =	shalt  }
0x61: {  	_ =	shalt  }
0x62: {  	_ =	shalt  }
0x63: {  	_ =	shalt  }
0x64: {  	_ =	shalt  }
0x65: {  	_ =	shalt  }
0x66: {  	_ =	shalt  }
0x67: {  	_ =	shalt  }
0x68: {  	_ =	shalt  }
0x69: {  	_ =	shalt  }
0x6a: {  	_ =	shalt  }
0x6b: {  	_ =	shalt  }
0x6c: {  	_ =	shalt  }
0x6d: {  	_ =	shalt  }
0x6e: {  	_ =	shalt  }
0x6f: {  	_ =	shalt  }
0x70: {  	_ =	shalt  }
0x71: {  	_ =	shalt  }
0x72: {  	_ =	shalt  }
0x73: {  	_ =	shalt  }
0x74: {  	_ =	shalt  }
0x75: {  	_ =	shalt  }
0x76: {  	_ =	shalt  }
0x77: {  	_ =	shalt  }
0x78: {  	_ =	shalt  }
0x79: {  	_ =	shalt  }
0x7a: {  	_ =	shalt  }
0x7b: {  	_ =	shalt  }
0x7c: {  	_ =	shalt  }
0x7d: {  	_ =	shalt  }
0x7e: {  	_ =	shalt  }
0x7f: {  	_ =	shalt  }
0x80: {  	_ =	shalt  }
0x81: {  	_ =	shalt  }
0x82: {  	_ =	shalt  }
0x83: {  	_ =	shalt  }
0x84: {  	_ =	shalt  }
0x85: {  	_ =	shalt  }
0x86: {  	_ =	shalt  }
0x87: {  	_ =	shalt  }
.Lfunc_end0:
.L_simem_size_0:
called_computation_lowered:
.L_overlay_start_0:
0x88: {  	s2 =	sld [smem:$0x3FD9]  }
0x89: {  	s3 =	sld [smem:$0x3FFE];
	_ =	sdelay $0x1  }
0x8a: {  	s1 =	srdreg.scid  }
0x8b: {  	s0 =	sand.u32 $0x1, s1  }
0x8c: {  	s17 =	sshll.u32 s0, $0xA;
	s2 =	sadd.s32 s3, s2  }
0x8d: {  	s2 =	sadd.s32 s2, s17  }
0x8e: {  	[smem:$0x3FC2] =	sst s2  }
0x8f: {  	_ = 	snop  }
0x90: {  	s2 =	sld [smem:$0x3FD0];
	(tm) =	ssettm $0x1  }
0x91: {  	s18 =	sld [smem:$0x3FFB];
	_ =	sdelay $0x3  }
0x92: {  	_ =	strace s18  }
0x93: {  	s3 =	sld [smem:$0x3FFC];
	_ =	sdelay $0x3  }
0x94: {  	_ =	strace s3  }
0x95: {  	s3 =	sld [smem:$0x3FFD];
	_ =	sdelay $0x3  }
0x96: {  	_ =	strace s3  }
0x97: {  	_ =	strace $0x8FFFFFFF  }
0x98: {  	s19 =	sld [smem:$0x3FDB];
	_ =	sdelay $0x1  }
0x99: {  	s4 =	simm.s32 $_scs_section_size  }
0x9a: {  	s5 =	simm.s32 $_size__tile_overlayer_lowered;
	s6 =	simm.s32 $_tile_overlayer_lowered  }
0x9b: {  	s22 =	simm.s32 $0x1BFF;
	s21 =	sshll.u32 s6, $0x1;
	s3 =	sadd.s32 s4, s19  }
0x9c: {  	s7 =	simm.s32 $0x0;
	s20 =	sshll.u32 s5, $0x1;
	s5 =	sadd.s32 s21, s3  }
0x9d: {  	[timem:s7], [sflag:s22] =	dma.local [hbm:s5], s20  }
0x9e: {  	_ =	swait.ge [sflag:s22], s20  }
0x9f: {  	s4 =	ssub.s32 $0x0, s20;
	[sflag:s22] =	ssyncset.done $0x0  }
0xa0: {  	[sflag:s22] =	ssyncadd.s32 s4;
	_ =	sdelay $0x1  }
0xa1: {  	s23 =	simm.s32 $0x1B8B  }
0xa2: {  	_ =	swait.ge [sflag:s23], $0x1  }
0xa3: {  	[sflag:s23] =	ssyncset.done $0x0  }
0xa4: {  	s25 =	simm.s32 $0x1B8E;
	s24 =	sld [smem:$0x3FFE];
	[sflag:s23] =	ssyncadd.s32 $0xFFFFFFFF  }
0xa5: {  	s26 =	simm.s32 $execute0_lowered;
	[smem:$0x3FD2] =	sst s25  }
0xa6: {  	s5 =	sshll.u32 s26, $0x1;
	_ =	strace $0x80000049;
	[dreg:$0x1] =	wrdreg $0xFFFFFFFF  }
0xa7: {  	s28 =	simm.s32 $_size_execute0_lowered;
	s3 =	sadd.s32 s3, s5;
	[dreg:$0x0] =	wrdreg $0x0  }
0xa8: {  	s5 =	sshll.u32 s28, $0x1;
	[dreg:$0x2] =	wrdreg s3  }
0xa9: {  	[dreg:$0x3] =	wrdreg s5  }
0xaa: {  	[dreg:$0x4] =	wrdreg $0xC0  }
0xab: {  	_ =	task [dreg:s7], $0x5FFFF  }
0xac: {  	[dreg:$0x1] =	wrdreg $0xFFFFFFFF  }
0xad: {  	[dreg:$0x0] =	wrdreg $0x60  }
0xae: {  	[dreg:$0x2] =	wrdreg s24  }
0xaf: {  	[dreg:$0x3] =	wrdreg s2  }
0xb0: {  	[dreg:$0x4] =	wrdreg $0xA8000  }
0xb1: {  	[dreg:$0x5] =	wrdreg $0x9  }
0xb2: {  	_ =	task.clear_ibuf [dreg:s7], $0x6FFFF;
	_ =	strace $0x90000049  }
0xb3: {  	s29 =	simm.s32 $0x9;
	_ =	strace $0x8000004B  }
0xb4: {  	_ =	swait.ge [sflag:s29], $0x1  }
0xb5: {  	[sflag:s29] =	ssyncadd.s32 $0xFFFFFFFF  }
0xb6: {  	_ =	strace $0x9000004B  }
0xb7: {  	_ =	sfence  }
0xb8: {  	s30 =	sld [smem:$0x0];
	_ =	sdelay $0x2  }
0xb9: {  	s31 =	sshll.u32 s1, $0xD;
	s1 =	sshrl.u32 s1, $0x2  }
0xba: {  	s3 =	sand.u32 $0x4000, s31;
	s1 =	sadd.s32 s1, s30  }
0xbb: {  	s0 =	sor.u32 s3, s0;
	s1 =	sshll.u32 s1, $0x11  }
0xbc: {  	s0 =	sor.u32 s1, s0  }
0xbd: {  	s0 =	sadd.s32 $0x8F2B, s0  }
0xbe: {  	[sflag:s0] =	ssyncadd.remote.s32 $0x1  }
0xbf: {  	_ =	sfence.sel $0xFFFF  }
0xc0: {  	[dreg:$0x0] =	wrdreg $0xFFFFFFFF;
	(pc) =	sbr.abs _section_cstart, $3  }
0xc1: {  	[dreg:$0x1] =	wrdreg $0xFFFFFFFF  }
0xc2: {  	_ =	task.clear_ibuf [dreg:s7], $0x2FFFF;
	_ =	strace $0x9FFFFFFF  }
0xc3: {  	(tm) =	ssettm $0x7FFFFFFF  }
tec
execute0_lowered:
.L_overlay_start_1:
0x0: {  	(tag) =	ssettag $0x1  }
0x1: {  	s5 =	rddreg [dreg:$0x0]  }
0x2: {  	s9 =	rddreg [dreg:$0x1]  }
0x3: {  	s1 =	rddreg [dreg:$0x2]  }
0x4: {  	s2 =	srdreg.scid;
	s0 =	rddreg [dreg:$0x3]  }
0x5: {  	s3 =	simm.s32 $0x0;
	s17 =	simm.s32 $0x2800;
	s18 =	simm.s32 $0x6800  }
0x6: {  	s19 =	simm.s32 $0x1;
	s20 =	simm.s32 $0x2;
	s21 =	simm.s32 $0x1380  }
0x7: {  	s22 =	simm.s32 $0x2700;
	s11 =	sand.u32 $0x1, s2;
	s2 =	stileid.u32  }
0x8: {  	s23 =	simm.s32 $0x2780;
	[smem:$0x7FF] =	sst s3;
	s6 =	smul.u32 $0x13C000, s11  }
0x9: {  	s4 =	sadd.s32 $0x2400, s5;
	s8 =	sadd.s32 $0x29C00, s5;
	s7 =	smul.u32 $0x13C00, s2  }
0xa: {  	s12 =	sadd.s32 $0x33C00, s5;
	_ =	strace $0x8000004A;
	s10 =	smul.u32 $0x4F000, s2  }
0xb: {  	s24 =	sshll.u32 s11, $0x4;
	s25 =	ssub.s32 $0x2, s11;
	s14 =	smul.u32 $0x2780, s2  }
0xc: {  	p0 =	sne.s32 s11, $0x0;
	s31 =	sshll.u32 s2, $0x6;
	s28 =	sshrl.u32 s25, $0x1  }
0xd: {  	s6 =	sadd.s32 s7, s6;
	s7 =	sor.u32 s2, s24;
	s10 =	sshrl.u32 s10, $0x2  }
0xe: {  	s15 =	ssub.s32 s25, s28;
	s24 =	simm.s32 $0x0;
	s6 =	sshrl.u32 s6, $0x3  }
0xf: {  	s26 =	smul.u32 $0x2800, s7;
	s16 =	sadd.s32 s10, s1;
	s11 =	smax.u32 s15, $0x1  }
0x10: {  	s15 =	simm.s32 $0x1400;
	s13 =	sadd.s32 s6, s5;
	s5 =	sadd.s32 s4, s14  }
0x11: {  	s14 =	simm.s32 $0x3;
	s29 =	sshrl.u32 s26, $0x3;
	s10 =	sadd.s32 $0x36400, s13  }
0x12: {  	s5 =	smov.u32 @p0 s12;
	s12 =	sor.u32 $0x1C03, s31;
	s13 =	sshrl.u32 s16, $0x3  }
0x13: {  	s16 =	simm.s32 $0x80;
	s6 =	sadd.s32 s8, s29;
	s30 =	sadd.s32 $0x280, s29  }
0x14: {  	s7 =	sadd.s32 s9, s29;
	s8 =	sadd.s32 s8, s30;
	s9 =	sadd.s32 s9, s30  }
.LBB2_1:
0x15: {  	[spmem:s13], [sflag:s12] =	dma.local [hbm:s5], $0x2780  }
0x16: {  	_ =	swait.ge [sflag:s14], $0x2780  }
0x17: {  	[sflag:s14] =	ssyncset.done $0x0  }
0x18: {  	[sflag:s14] =	ssyncadd.s32 $0xFFFFD880  }
0x19: {  	[bflag:$0x0] =	sbarrier.arrive $0xFFFF  }
0x1a: {  	[tilespmem:s3], [sflag:$0x3] =	stream.linear.gather [hbm4b:s6+s3], $0x1400, $0x38;
	[tilespmem:$0x1E400] =	vst v63  }
0x1b: {  	_ =	swait.ge [sflag:s14], $0x1400  }
0x1c: {  	[sflag:s14] =	ssyncset.done $0x0  }
0x1d: {  	[sflag:s14] =	ssyncadd.s32 $0xFFFFEC00  }
0x1e: {  	[tilespmem:s15], [sflag:$0x3] =	stream.linear.gather [hbm4b:s7+s3], $0x1400, $0x38;
	[tilespmem:$0x1E400] =	vst v63  }
0x1f: {  	_ =	swait.ge [sflag:s14], $0x1400  }
0x20: {  	[sflag:s14] =	ssyncset.done $0x0  }
0x21: {  	[sflag:s14] =	ssyncadd.s32 $0xFFFFEC00  }
0x22: {  	[tilespmem:s17], [sflag:$0x1] =	stream.indirect.gather [hbm4b:s4+s16], $0x80, s3, s16, $0xb8;
	[tilespmem:$0x1E400] =	vst v63  }
0x23: {  	s25 =	simm.s32 $0x80  }
0x24: {  	[tilespmem:s18], [sflag:$0x2] =	stream.indirect.gather [hbm4b:s4+s16], $0x80, s25, s16, $0xb8;
	[tilespmem:$0x1E400] =	vst v63  }
0x25: {  	_ =	swait.ge [sflag:s19], $0x4000  }
0x26: {  	[sflag:s19] =	ssyncset.done $0x0  }
0x27: {  	s29 =	simm.s32 $0x1400;
	[sflag:s19] =	ssyncadd.s32 $0xFFFFC000  }
0x28: {  	[spmem:s1] =	stream.indirect.scatter.add.f32 [tilespmem:s17], [sflag:$0x3], $0x80, s29, s16, $0xb8;
	[tilespmem:$0x1E400] =	vst v63  }
0x29: {  	_ =	swait.ge [sflag:s14], $0x4000  }
0x2a: {  	[sflag:s14] =	ssyncset.done $0x0  }
0x2b: {  	s30 =	simm.s32 $0x100;
	[sflag:s14] =	ssyncadd.s32 $0xFFFFC000  }
0x2c: {  	[tilespmem:s17], [sflag:$0x1] =	stream.indirect.gather [hbm4b:s4+s16], $0x80, s30, s16, $0xb8;
	[tilespmem:$0x1E400] =	vst v63  }
0x2d: {  	_ =	swait.ge [sflag:s20], $0x4000  }
0x2e: {  	[sflag:s20] =	ssyncset.done $0x0  }
0x2f: {  	s31 =	simm.s32 $0x1480;
	[sflag:s20] =	ssyncadd.s32 $0xFFFFC000  }
0x30: {  	[spmem:s1] =	stream.indirect.scatter.add.f32 [tilespmem:s18], [sflag:$0x3], $0x80, s31, s16, $0xb8;
	[tilespmem:$0x1E400] =	vst v63  }
0x31: {  	_ =	swait.ge [sflag:s14], $0x4000  }
0x32: {  	s26 =	simm.s32 $0x800;
	s25 =	simm.s32 $0x100;
	[sflag:s14] =	ssyncset.done $0x0  }
.LBB2_2:
0x33: {  	s28 =	sadd.s32 $0x80, s25  }
0x34: {  	[sflag:s14] =	ssyncadd.s32 $0xFFFFC000;
	s29 =	smov.u32 s26;
	s30 =	sadd.s32 $0x400, s26  }
0x35: {  	[tilespmem:s18], [sflag:$0x2] =	stream.indirect.gather [hbm4b:s4+s16], $0x80, s28, s16, $0xb8;
	[tilespmem:$0x1E400] =	vst v63  }
0x36: {  	p0 =	sne.s32 s26, $0x4800;
	_ =	swait.ge [sflag:s19], $0x4000  }
0x37: {  	[sflag:s19] =	ssyncset.done $0x0  }
0x38: {  	s26 =	sadd.s32 $0x1400, s25;
	[sflag:s19] =	ssyncadd.s32 $0xFFFFC000  }
0x39: {  	[spmem:s1] =	stream.indirect.scatter.add.f32 [tilespmem:s17], [sflag:$0x3], $0x80, s26, s16, $0xb8;
	[tilespmem:$0x1E400] =	vst v63  }
0x3a: {  	_ =	swait.ge [sflag:s14], $0x4000  }
0x3b: {  	[sflag:s14] =	ssyncset.done $0x0  }
0x3c: {  	s26 =	sadd.s32 $0x100, s25;
	[sflag:s14] =	ssyncadd.s32 $0xFFFFC000  }
0x3d: {  	[tilespmem:s17], [sflag:$0x1] =	stream.indirect.gather [hbm4b:s4+s16], $0x80, s26, s16, $0xb8;
	[tilespmem:$0x1E400] =	vst v63  }
0x3e: {  	_ =	swait.ge [sflag:s20], $0x4000  }
.Ltmp0:
0x3f: {  	[sflag:s20] =	ssyncset.done $0x0;
	(pc) =	sbr.rel @p0 .LBB2_2-.Ltmp0, $4  }
0x40: {  	s25 =	sadd.s32 $0x1480, s25;
	[sflag:s20] =	ssyncadd.s32 $0xFFFFC000  }
0x41: {  	[spmem:s1] =	stream.indirect.scatter.add.f32 [tilespmem:s18], [sflag:$0x3], $0x80, s25, s16, $0xb8;
	[tilespmem:$0x1E400] =	vst v63  }
0x42: {  	_ =	swait.ge [sflag:s14], $0x4000  }
0x43: {  	s26 =	smov.u32 s30;
	s25 =	sshra.s32 s29, $0x2;
	[sflag:s14] =	ssyncset.done $0x0  }
0x44: {  	s26 =	sadd.s32 $0x80, s25;
	[sflag:s14] =	ssyncadd.s32 $0xFFFFC000  }
0x45: {  	[tilespmem:s18], [sflag:$0x2] =	stream.indirect.gather [hbm4b:s4+s16], $0x80, s26, s16, $0xb8;
	[tilespmem:$0x1E400] =	vst v63  }
0x46: {  	_ =	swait.ge [sflag:s19], $0x4000  }
0x47: {  	[sflag:s19] =	ssyncset.done $0x0  }
0x48: {  	s29 =	sadd.s32 $0x1400, s25;
	[sflag:s19] =	ssyncadd.s32 $0xFFFFC000  }
0x49: {  	[spmem:s1] =	stream.indirect.scatter.add.f32 [tilespmem:s17], [sflag:$0x3], $0x80, s29, s16, $0xb8;
	[tilespmem:$0x1E400] =	vst v63  }
0x4a: {  	_ =	swait.ge [sflag:s14], $0x4000  }
0x4b: {  	[sflag:s14] =	ssyncset.done $0x0  }
0x4c: {  	s30 =	sadd.s32 $0x100, s25;
	[sflag:s14] =	ssyncadd.s32 $0xFFFFC000  }
0x4d: {  	[tilespmem:s17], [sflag:$0x1] =	stream.indirect.gather [hbm4b:s4+s16], $0x80, s30, s16, $0xb8;
	[tilespmem:$0x1E400] =	vst v63  }
0x4e: {  	_ =	swait.ge [sflag:s20], $0x4000  }
0x4f: {  	[sflag:s20] =	ssyncset.done $0x0  }
0x50: {  	s31 =	sadd.s32 $0x1480, s25;
	[sflag:s20] =	ssyncadd.s32 $0xFFFFC000  }
0x51: {  	[spmem:s1] =	stream.indirect.scatter.add.f32 [tilespmem:s18], [sflag:$0x3], $0x80, s31, s16, $0xb8;
	[tilespmem:$0x1E400] =	vst v63  }
0x52: {  	_ =	swait.ge [sflag:s14], $0x4000  }
0x53: {  	[sflag:s14] =	ssyncset.done $0x0  }
0x54: {  	[sflag:s14] =	ssyncadd.s32 $0xFFFFC000  }
0x55: {  	[tilespmem:s18], [sflag:$0x2] =	stream.indirect.gather [hbm4b:s4+s16], $0x80, s21, s16, $0xb8;
	[tilespmem:$0x1E400] =	vst v63  }
0x56: {  	_ =	swait.ge [sflag:s19], $0x4000  }
0x57: {  	[sflag:s19] =	ssyncset.done $0x0  }
0x58: {  	[sflag:s19] =	ssyncadd.s32 $0xFFFFC000  }
0x59: {  	[spmem:s1] =	stream.indirect.scatter.add.f32 [tilespmem:s17], [sflag:$0x3], $0x80, s22, s16, $0xb8;
	[tilespmem:$0x1E400] =	vst v63  }
0x5a: {  	_ =	swait.ge [sflag:s14], $0x4000  }
0x5b: {  	[sflag:s14] =	ssyncset.done $0x0  }
0x5c: {  	[sflag:s14] =	ssyncadd.s32 $0xFFFFC000  }
0x5d: {  	_ =	swait.ge [sflag:s20], $0x4000  }
0x5e: {  	[sflag:s20] =	ssyncset.done $0x0  }
0x5f: {  	[sflag:s20] =	ssyncadd.s32 $0xFFFFC000  }
0x60: {  	[spmem:s1] =	stream.indirect.scatter.add.f32 [tilespmem:s18], [sflag:$0x3], $0x80, s23, s16, $0xb8;
	[tilespmem:$0x1E400] =	vst v63  }
0x61: {  	_ =	swait.ge [sflag:s14], $0x4000  }
0x62: {  	[sflag:s14] =	ssyncset.done $0x0  }
0x63: {  	s26 =	simm.s32 $0x0;
	[sflag:s14] =	ssyncadd.s32 $0xFFFFC000  }
0x64: {  	[tilespmem:s26], [sflag:$0x3] =	stream.linear.gather [hbm4b:s8+s26], $0x1400, $0x38;
	[tilespmem:$0x1E400] =	vst v63  }
0x65: {  	_ =	swait.ge [sflag:s14], $0x1400  }
0x66: {  	[sflag:s14] =	ssyncset.done $0x0  }
0x67: {  	[sflag:s14] =	ssyncadd.s32 $0xFFFFEC00  }
0x68: {  	[tilespmem:s15], [sflag:$0x3] =	stream.linear.gather [hbm4b:s9+s26], $0x1400, $0x38;
	[tilespmem:$0x1E400] =	vst v63  }
0x69: {  	_ =	swait.ge [sflag:s14], $0x1400  }
0x6a: {  	[sflag:s14] =	ssyncset.done $0x0  }
0x6b: {  	[sflag:s14] =	ssyncadd.s32 $0xFFFFEC00  }
0x6c: {  	[tilespmem:s17], [sflag:$0x1] =	stream.indirect.gather [hbm4b:s4+s16], $0x80, s26, s16, $0xb8;
	[tilespmem:$0x1E400] =	vst v63  }
0x6d: {  	s28 =	simm.s32 $0x80  }
0x6e: {  	[tilespmem:s18], [sflag:$0x2] =	stream.indirect.gather [hbm4b:s4+s16], $0x80, s28, s16, $0xb8;
	[tilespmem:$0x1E400] =	vst v63  }
0x6f: {  	_ =	swait.ge [sflag:s19], $0x4000  }
0x70: {  	[sflag:s19] =	ssyncset.done $0x0  }
0x71: {  	s29 =	simm.s32 $0x1400;
	[sflag:s19] =	ssyncadd.s32 $0xFFFFC000  }
0x72: {  	[spmem:s1] =	stream.indirect.scatter.add.f32 [tilespmem:s17], [sflag:$0x3], $0x80, s29, s16, $0xb8;
	[tilespmem:$0x1E400] =	vst v63  }
0x73: {  	_ =	swait.ge [sflag:s14], $0x4000  }
0x74: {  	[sflag:s14] =	ssyncset.done $0x0  }
0x75: {  	s30 =	simm.s32 $0x100;
	[sflag:s14] =	ssyncadd.s32 $0xFFFFC000  }
0x76: {  	[tilespmem:s17], [sflag:$0x1] =	stream.indirect.gather [hbm4b:s4+s16], $0x80, s30, s16, $0xb8;
	[tilespmem:$0x1E400] =	vst v63  }
0x77: {  	_ =	swait.ge [sflag:s20], $0x4000  }
0x78: {  	[sflag:s20] =	ssyncset.done $0x0  }
0x79: {  	s31 =	simm.s32 $0x1480;
	[sflag:s20] =	ssyncadd.s32 $0xFFFFC000  }
0x7a: {  	[spmem:s1] =	stream.indirect.scatter.add.f32 [tilespmem:s18], [sflag:$0x3], $0x80, s31, s16, $0xb8;
	[tilespmem:$0x1E400] =	vst v63  }
0x7b: {  	_ =	swait.ge [sflag:s14], $0x4000  }
0x7c: {  	s25 =	simm.s32 $0x100;
	s26 =	simm.s32 $0x800;
	[sflag:s14] =	ssyncset.done $0x0  }
.LBB2_4:
0x7d: {  	s28 =	sadd.s32 $0x80, s25  }
0x7e: {  	[sflag:s14] =	ssyncadd.s32 $0xFFFFC000;
	s29 =	smov.u32 s26;
	s30 =	sadd.s32 $0x400, s26  }
0x7f: {  	[tilespmem:s18], [sflag:$0x2] =	stream.indirect.gather [hbm4b:s4+s16], $0x80, s28, s16, $0xb8;
	[tilespmem:$0x1E400] =	vst v63  }
0x80: {  	p0 =	sne.s32 s26, $0x4800;
	_ =	swait.ge [sflag:s19], $0x4000  }
0x81: {  	[sflag:s19] =	ssyncset.done $0x0  }
0x82: {  	s26 =	sadd.s32 $0x1400, s25;
	[sflag:s19] =	ssyncadd.s32 $0xFFFFC000  }
0x83: {  	[spmem:s1] =	stream.indirect.scatter.add.f32 [tilespmem:s17], [sflag:$0x3], $0x80, s26, s16, $0xb8;
	[tilespmem:$0x1E400] =	vst v63  }
0x84: {  	_ =	swait.ge [sflag:s14], $0x4000  }
0x85: {  	[sflag:s14] =	ssyncset.done $0x0  }
0x86: {  	s26 =	sadd.s32 $0x100, s25;
	[sflag:s14] =	ssyncadd.s32 $0xFFFFC000  }
0x87: {  	[tilespmem:s17], [sflag:$0x1] =	stream.indirect.gather [hbm4b:s4+s16], $0x80, s26, s16, $0xb8;
	[tilespmem:$0x1E400] =	vst v63  }
0x88: {  	_ =	swait.ge [sflag:s20], $0x4000  }
.Ltmp1:
0x89: {  	[sflag:s20] =	ssyncset.done $0x0;
	(pc) =	sbr.rel @p0 .LBB2_4-.Ltmp1, $4  }
0x8a: {  	s25 =	sadd.s32 $0x1480, s25;
	[sflag:s20] =	ssyncadd.s32 $0xFFFFC000  }
0x8b: {  	[spmem:s1] =	stream.indirect.scatter.add.f32 [tilespmem:s18], [sflag:$0x3], $0x80, s25, s16, $0xb8;
	[tilespmem:$0x1E400] =	vst v63  }
0x8c: {  	_ =	swait.ge [sflag:s14], $0x4000  }
0x8d: {  	s26 =	smov.u32 s30;
	s25 =	sshra.s32 s29, $0x2;
	[sflag:s14] =	ssyncset.done $0x0  }
0x8e: {  	s26 =	sadd.s32 $0x80, s25;
	[sflag:s14] =	ssyncadd.s32 $0xFFFFC000  }
0x8f: {  	[tilespmem:s18], [sflag:$0x2] =	stream.indirect.gather [hbm4b:s4+s16], $0x80, s26, s16, $0xb8;
	[tilespmem:$0x1E400] =	vst v63  }
0x90: {  	_ =	swait.ge [sflag:s19], $0x4000  }
0x91: {  	[sflag:s19] =	ssyncset.done $0x0  }
0x92: {  	s29 =	sadd.s32 $0x1400, s25;
	[sflag:s19] =	ssyncadd.s32 $0xFFFFC000  }
0x93: {  	[spmem:s1] =	stream.indirect.scatter.add.f32 [tilespmem:s17], [sflag:$0x3], $0x80, s29, s16, $0xb8;
	[tilespmem:$0x1E400] =	vst v63  }
0x94: {  	_ =	swait.ge [sflag:s14], $0x4000  }
0x95: {  	[sflag:s14] =	ssyncset.done $0x0  }
0x96: {  	s30 =	sadd.s32 $0x100, s25;
	[sflag:s14] =	ssyncadd.s32 $0xFFFFC000  }
0x97: {  	[tilespmem:s17], [sflag:$0x1] =	stream.indirect.gather [hbm4b:s4+s16], $0x80, s30, s16, $0xb8;
	[tilespmem:$0x1E400] =	vst v63  }
0x98: {  	_ =	swait.ge [sflag:s20], $0x4000  }
0x99: {  	[sflag:s20] =	ssyncset.done $0x0  }
0x9a: {  	s31 =	sadd.s32 $0x1480, s25;
	[sflag:s20] =	ssyncadd.s32 $0xFFFFC000  }
0x9b: {  	[spmem:s1] =	stream.indirect.scatter.add.f32 [tilespmem:s18], [sflag:$0x3], $0x80, s31, s16, $0xb8;
	[tilespmem:$0x1E400] =	vst v63  }
0x9c: {  	_ =	swait.ge [sflag:s14], $0x4000  }
0x9d: {  	[sflag:s14] =	ssyncset.done $0x0  }
0x9e: {  	[sflag:s14] =	ssyncadd.s32 $0xFFFFC000  }
0x9f: {  	[tilespmem:s18], [sflag:$0x2] =	stream.indirect.gather [hbm4b:s4+s16], $0x80, s21, s16, $0xb8;
	[tilespmem:$0x1E400] =	vst v63  }
0xa0: {  	_ =	swait.ge [sflag:s19], $0x4000  }
0xa1: {  	[sflag:s19] =	ssyncset.done $0x0  }
0xa2: {  	[sflag:s19] =	ssyncadd.s32 $0xFFFFC000  }
0xa3: {  	[spmem:s1] =	stream.indirect.scatter.add.f32 [tilespmem:s17], [sflag:$0x3], $0x80, s22, s16, $0xb8;
	[tilespmem:$0x1E400] =	vst v63  }
0xa4: {  	_ =	swait.ge [sflag:s14], $0x4000  }
0xa5: {  	[sflag:s14] =	ssyncset.done $0x0  }
0xa6: {  	[sflag:s14] =	ssyncadd.s32 $0xFFFFC000  }
0xa7: {  	_ =	swait.ge [sflag:s20], $0x4000  }
0xa8: {  	[sflag:s20] =	ssyncset.done $0x0  }
0xa9: {  	[sflag:s20] =	ssyncadd.s32 $0xFFFFC000  }
0xaa: {  	[spmem:s1] =	stream.indirect.scatter.add.f32 [tilespmem:s18], [sflag:$0x3], $0x80, s23, s16, $0xb8;
	[tilespmem:$0x1E400] =	vst v63  }
0xab: {  	_ =	swait.ge [sflag:s14], $0x4000  }
0xac: {  	s24 =	sadd.s32 $0x1, s24;
	[sflag:s14] =	ssyncset.done $0x0  }
0xad: {  	p0 =	sne.s32 s24, s11;
	[sflag:s14] =	ssyncadd.s32 $0xFFFFC000  }
.Ltmp2:
0xae: {  	[bflag:$0x0] =	sbarrier.arrive $0xFFFF;
	(pc) =	sbr.rel @p0 .LBB2_1-.Ltmp2, $4  }
0xaf: {  	[hbm:s10], [sflag:s12] =	dma.local [spmem:s13], $0x2780  }
0xb0: {  	_ =	swait.ge [sflag:s14], $0x2780  }
0xb1: {  	[sflag:s14] =	ssyncset.done $0x0  }
0xb2: {  	[sflag:s14] =	ssyncadd.s32 $0xFFFFD880  }
0xb3: {  	_ =	sfence.sel $0x180000  }
0xb4: {  	[bflag:$0x0] =	sbarrier.arrive $0xFFFF  }
0xb5: {  	p0 =	sne.s32 s2, $0x0;
	_ =	strace $0x9000004A  }
0xb6: {  	s0 =	sadd.s32 @!p0 $0x100000, s0;
	[bflag:$0x2] =	sbarrier.arrive $0xFFFF  }
0xb7: {  	[sflag:s0] =	ssyncadd.tile.s32 @!p0 $0x1;
	_ =	shalt  }
.Lfunc_end2:
_tile_overlayer_lowered:
.L_overlay_start_2:
0xb8: {  	(tag) =	ssettag $0x2  }
0xb9: {  	s0 =	rddreg [dreg:$0x0];
	s2 =	stileid.u32  }
0xba: {  	s1 =	rddreg [dreg:$0x1];
	p0 =	sne.s32 s2, $0x0  }
0xbb: {  	s3 =	rddreg [dreg:$0x2];
	[bflag:$0x3] =	sbarrier.arrive $0xFFFF;
	s2 =	simm.s32 @!p0 $0x1C03  }
0xbc: {  	[timem:s3], [sflag:s2] =	dma.local @!p0 [hbm:s0], s1  }
0xbd: {  	s0 =	simm.s32 @!p0 $0x3  }
0xbe: {  	_ =	swait.ge @!p0 [sflag:s0], s1  }
0xbf: {  	s1 =	ssub.s32 @!p0 $0x0, s1;
	[sflag:s0] =	ssyncset.done @!p0 $0x0  }
0xc0: {  	[sflag:s0] =	ssyncadd.s32 @!p0 s1  }
0xc1: {  	[bflag:$0x3] =	sbarrier.arrive $0xFFFF  }
0xc2: {  	_ =	shalt  }

// kernel: kernel.4.cloned.1.call-start
scs
__scs_entry_jumppad:
0x0: {  	(pc) =	sbr.rel $0x88, $3  }
0x1: {  	(tag) =	ssettag $0x0;
	lr =	simm.s32 $0x1  }
0x2: {  	[smem:$0x3F9B] =	sst lr;
	_ =	strace $0xD0000000  }
0x3: {  	_ = 	snop  }
0x4: {  	_ = 	snop  }
0x5: {  	_ = 	snop  }
0x6: {  	_ = 	snop  }
0x7: {  	_ = 	snop  }
__scs_overlays_trampoline_lowered:
0x8: {  	[smem:$0x3FAA] =	sst s0  }
0x9: {  	[smem:$0x3FAB] =	sst s1  }
0xa: {  	[smem:$0x3FAC] =	sst s2  }
0xb: {  	[smem:$0x3FAD] =	sst s3  }
0xc: {  	[smem:$0x3FAE] =	sst s4  }
0xd: {  	[smem:$0x3FAF] =	sst s5  }
0xe: {  	[smem:$0x3FB0] =	sst s6  }
0xf: {  	[smem:$0x3FB1] =	sst s7  }
0x10: {  	[smem:$0x3FB2] =	sst s8  }
0x11: {  	[smem:$0x3FB3] =	sst s9;
	s0 =	simm.s32 @!p0 $0x0  }
0x12: {  	s1 =	sld [smem:$0x3F99];
	s0 =	simm.s32 @p0 $0x1  }
0x13: {  	[smem:$0x3FB4] =	sst s0;
	s0 =	simm.s32 @!p1 $0x0  }
0x14: {  	s2 =	sld [smem:$0x3F98];
	s0 =	simm.s32 @p1 $0x1  }
0x15: {  	[smem:$0x3FB5] =	sst s0;
	s0 =	simm.s32 @!p2 $0x0  }
0x16: {  	s3 =	sld [smem:$0x3FDB];
	s0 =	simm.s32 @p2 $0x1  }
0x17: {  	s4 =	simm.s32 $0x1BF5;
	[smem:$0x3FB7] =	sst s0  }
0x18: {  	s0 =	sld [smem:$0x3F9A];
	_ =	swait.ge [sflag:s4], $0x0  }
0x19: {  	s7 =	sld [smem:$0x3F9B]  }
0x1a: {  	s8 =	sadd.s32 $0xFFFFE003, lr  }
0x1b: {  	s9 =	sadd.s32 $0xFFFFFEF7, lr;
	s5 =	simm.s32 $0xFFFFFFFF;
	p2 =	slt.u32 s8, $0xFFFFF086  }
0x1c: {  	p1 =	slt.u32 s9, $0xF7A;
	s5 =	simm.s32 @!p2 $0x0  }
0x1d: {  	s5 =	simm.s32 @p1 $0x1;
	p0 =	seq.s32 s7, s2  }
0x1e: {  	s7 =	smul.u32 @!p0 $0xF7A, s2;
	p2 =	seq.s32 @!p0 s5, $0x0  }
0x1f: {  	s9 =	smul.u32 $0xF7A, s1;
	s8 =	simm.s32 @!p0 $0x1BF5;
	p2 =	por !p2, p0  }
0x20: {  	[sflag:s8] =	ssyncset.s32 @!p0 $0xFFFFF086;
	s6 =	sadd.s32 @!p0 s3, s7;
	s7 =	simm.s32 @!p0 $0x108  }
0x21: {  	s3 =	sadd.s32 s3, s9;
	s6 =	sadd.s32 @!p0 $0x88, s6;
	s7 =	simm.s32 @p2 $0x1082  }
0x22: {  	[simem:s7], [sflag:s8] =	dma.local @!p0 [hbm:s6], $0xF7A  }
0x23: {  	s9 =	sor.u32 $0xD0000000, s2;
	s6 =	simm.s32 $0x108;
	_ =	swait.ge @!p0 [sflag:s8], $0x0  }
0x24: {  	s3 =	sadd.s32 $0x88, s3;
	s6 =	simm.s32 @!p1 $0x1082;
	[sflag:s4] =	ssyncset.s32 $0xFFFFF086  }
0x25: {  	[simem:s6], [sflag:s4] =	dma.local [hbm:s3], $0xF7A  }
0x26: {  	[smem:$0x3F9B] =	sst s1;
	(tag) =	ssettag s2;
	_ =	strace s9  }
0x27: {  	s1 =	sld [smem:$0x3FAB]  }
0x28: {  	s2 =	sld [smem:$0x3FAC]  }
0x29: {  	s4 =	sld [smem:$0x3FAE]  }
0x2a: {  	p0 =	seq.s32 s5, $0x0;
	s5 =	sld [smem:$0x3FAF]  }
0x2b: {  	s6 =	sld [smem:$0x3FB0]  }
0x2c: {  	s7 =	sld [smem:$0x3FB1]  }
0x2d: {  	s3 =	simm.s32 $0x108;
	s8 =	sld [smem:$0x3FB2]  }
0x2e: {  	s3 =	simm.s32 @!p0 $0x1082;
	s9 =	sld [smem:$0x3FB3]  }
0x2f: {  	lr =	sadd.s32 s0, s3;
	s0 =	sld [smem:$0x3FAA]  }
0x30: {  	s3 =	sld [smem:$0x3FAD]  }
0x31: {  	[smem:$0x3FB6] =	sst s10  }
0x32: {  	s10 =	sld [smem:$0x3FB4];
	_ =	sdelay $0x3  }
0x33: {  	p0 =	seq.s32 s10, $0x1;
	s10 =	sld [smem:$0x3FB6];
	_ =	sdelay $0x3  }
0x34: {  	[smem:$0x3FB6] =	sst s10  }
0x35: {  	s10 =	sld [smem:$0x3FB5];
	_ =	sdelay $0x3  }
0x36: {  	p1 =	seq.s32 s10, $0x1;
	s10 =	sld [smem:$0x3FB6];
	_ =	sdelay $0x3  }
0x37: {  	[smem:$0x3FB6] =	sst s10  }
0x38: {  	s10 =	sld [smem:$0x3FB7]  }
0x39: {  	_ = 	snop;
	(pc) =	sbr.ind lr, $3  }
0x3a: {  	_ = 	snop  }
0x3b: {  	_ = 	snop  }
0x3c: {  	p2 =	seq.s32 s10, $0x1;
	s10 =	sld [smem:$0x3FB6]  }
0x3d: {  	_ =	shalt  }
0x3e: {  	_ =	shalt  }
0x3f: {  	_ =	shalt  }
0x40: {  	_ =	shalt  }
0x41: {  	_ =	shalt  }
0x42: {  	_ =	shalt  }
0x43: {  	_ =	shalt  }
0x44: {  	_ =	shalt  }
0x45: {  	_ =	shalt  }
0x46: {  	_ =	shalt  }
0x47: {  	_ =	shalt  }
0x48: {  	_ =	shalt  }
0x49: {  	_ =	shalt  }
0x4a: {  	_ =	shalt  }
0x4b: {  	_ =	shalt  }
0x4c: {  	_ =	shalt  }
0x4d: {  	_ =	shalt  }
0x4e: {  	_ =	shalt  }
0x4f: {  	_ =	shalt  }
0x50: {  	_ =	shalt  }
0x51: {  	_ =	shalt  }
0x52: {  	_ =	shalt  }
0x53: {  	_ =	shalt  }
0x54: {  	_ =	shalt  }
0x55: {  	_ =	shalt  }
0x56: {  	_ =	shalt  }
0x57: {  	_ =	shalt  }
0x58: {  	_ =	shalt  }
0x59: {  	_ =	shalt  }
0x5a: {  	_ =	shalt  }
0x5b: {  	_ =	shalt  }
0x5c: {  	_ =	shalt  }
0x5d: {  	_ =	shalt  }
0x5e: {  	_ =	shalt  }
0x5f: {  	_ =	shalt  }
0x60: {  	_ =	shalt  }
0x61: {  	_ =	shalt  }
0x62: {  	_ =	shalt  }
0x63: {  	_ =	shalt  }
0x64: {  	_ =	shalt  }
0x65: {  	_ =	shalt  }
0x66: {  	_ =	shalt  }
0x67: {  	_ =	shalt  }
0x68: {  	_ =	shalt  }
0x69: {  	_ =	shalt  }
0x6a: {  	_ =	shalt  }
0x6b: {  	_ =	shalt  }
0x6c: {  	_ =	shalt  }
0x6d: {  	_ =	shalt  }
0x6e: {  	_ =	shalt  }
0x6f: {  	_ =	shalt  }
0x70: {  	_ =	shalt  }
0x71: {  	_ =	shalt  }
0x72: {  	_ =	shalt  }
0x73: {  	_ =	shalt  }
0x74: {  	_ =	shalt  }
0x75: {  	_ =	shalt  }
0x76: {  	_ =	shalt  }
0x77: {  	_ =	shalt  }
0x78: {  	_ =	shalt  }
0x79: {  	_ =	shalt  }
0x7a: {  	_ =	shalt  }
0x7b: {  	_ =	shalt  }
0x7c: {  	_ =	shalt  }
0x7d: {  	_ =	shalt  }
0x7e: {  	_ =	shalt  }
0x7f: {  	_ =	shalt  }
0x80: {  	_ =	shalt  }
0x81: {  	_ =	shalt  }
0x82: {  	_ =	shalt  }
0x83: {  	_ =	shalt  }
0x84: {  	_ =	shalt  }
0x85: {  	_ =	shalt  }
0x86: {  	_ =	shalt  }
0x87: {  	_ =	shalt  }
.Lfunc_end0:
.L_simem_size_0:
called_computation.1_lowered:
.L_overlay_start_0:
0x88: {  	s2 =	sld [smem:$0x3FD9]  }
0x89: {  	s3 =	sld [smem:$0x3FFE];
	_ =	sdelay $0x1  }
0x8a: {  	s1 =	srdreg.scid  }
0x8b: {  	s0 =	sand.u32 $0x1, s1  }
0x8c: {  	s17 =	sshll.u32 s0, $0xA;
	s2 =	sadd.s32 s3, s2  }
0x8d: {  	s2 =	sadd.s32 s2, s17  }
0x8e: {  	[smem:$0x3FC2] =	sst s2  }
0x8f: {  	_ = 	snop  }
0x90: {  	s2 =	sld [smem:$0x3FD0];
	(tm) =	ssettm $0x1  }
0x91: {  	s18 =	sld [smem:$0x3FFB];
	_ =	sdelay $0x3  }
0x92: {  	_ =	strace s18  }
0x93: {  	s3 =	sld [smem:$0x3FFC];
	_ =	sdelay $0x3  }
0x94: {  	_ =	strace s3  }
0x95: {  	s3 =	sld [smem:$0x3FFD];
	_ =	sdelay $0x3  }
0x96: {  	_ =	strace s3  }
0x97: {  	_ =	strace $0x8FFFFFFF  }
0x98: {  	s19 =	sld [smem:$0x3FDB];
	_ =	sdelay $0x1  }
0x99: {  	s4 =	simm.s32 $_scs_section_size  }
0x9a: {  	s5 =	simm.s32 $_size__tile_overlayer_lowered;
	s6 =	simm.s32 $_tile_overlayer_lowered  }
0x9b: {  	s22 =	simm.s32 $0x1BFF;
	s21 =	sshll.u32 s6, $0x1;
	s3 =	sadd.s32 s4, s19  }
0x9c: {  	s7 =	simm.s32 $0x0;
	s20 =	sshll.u32 s5, $0x1;
	s5 =	sadd.s32 s21, s3  }
0x9d: {  	[timem:s7], [sflag:s22] =	dma.local [hbm:s5], s20  }
0x9e: {  	_ =	swait.ge [sflag:s22], s20  }
0x9f: {  	s4 =	ssub.s32 $0x0, s20;
	[sflag:s22] =	ssyncset.done $0x0  }
0xa0: {  	[sflag:s22] =	ssyncadd.s32 s4;
	_ =	sdelay $0x1  }
0xa1: {  	s23 =	simm.s32 $0x1B8B  }
0xa2: {  	_ =	swait.ge [sflag:s23], $0x1  }
0xa3: {  	[sflag:s23] =	ssyncset.done $0x0  }
0xa4: {  	s25 =	simm.s32 $0x1B8E;
	s24 =	sld [smem:$0x3FFE];
	[sflag:s23] =	ssyncadd.s32 $0xFFFFFFFF  }
0xa5: {  	s26 =	simm.s32 $execute0_lowered;
	[smem:$0x3FD2] =	sst s25  }
0xa6: {  	s5 =	sshll.u32 s26, $0x1;
	_ =	strace $0x80000046;
	[dreg:$0x1] =	wrdreg $0xFFFFFFFF  }
0xa7: {  	s28 =	simm.s32 $_size_execute0_lowered;
	s3 =	sadd.s32 s3, s5;
	[dreg:$0x0] =	wrdreg $0x0  }
0xa8: {  	s5 =	sshll.u32 s28, $0x1;
	[dreg:$0x2] =	wrdreg s3  }
0xa9: {  	[dreg:$0x3] =	wrdreg s5  }
0xaa: {  	[dreg:$0x4] =	wrdreg $0xC0  }
0xab: {  	_ =	task [dreg:s7], $0x5FFFF  }
0xac: {  	[dreg:$0x1] =	wrdreg $0xFFFFFFFF  }
0xad: {  	[dreg:$0x0] =	wrdreg $0x60  }
0xae: {  	[dreg:$0x2] =	wrdreg s2  }
0xaf: {  	[dreg:$0x3] =	wrdreg s24  }
0xb0: {  	[dreg:$0x4] =	wrdreg $0x2B000  }
0xb1: {  	[dreg:$0x5] =	wrdreg $0x9  }
0xb2: {  	_ =	task.clear_ibuf [dreg:s7], $0x6FFFF;
	_ =	strace $0x90000046  }
0xb3: {  	s29 =	simm.s32 $0x9;
	_ =	strace $0x80000048  }
0xb4: {  	_ =	swait.ge [sflag:s29], $0x1  }
0xb5: {  	[sflag:s29] =	ssyncadd.s32 $0xFFFFFFFF  }
0xb6: {  	_ =	strace $0x90000048  }
0xb7: {  	_ =	sfence  }
0xb8: {  	s30 =	sld [smem:$0x0];
	_ =	sdelay $0x2  }
0xb9: {  	s31 =	sshll.u32 s1, $0xD;
	s1 =	sshrl.u32 s1, $0x2  }
0xba: {  	s3 =	sand.u32 $0x4000, s31;
	s1 =	sadd.s32 s1, s30  }
0xbb: {  	s0 =	sor.u32 s3, s0;
	s1 =	sshll.u32 s1, $0x11  }
0xbc: {  	s0 =	sor.u32 s1, s0  }
0xbd: {  	s0 =	sadd.s32 $0x8F2B, s0  }
0xbe: {  	[sflag:s0] =	ssyncadd.remote.s32 $0x1  }
0xbf: {  	_ =	sfence.sel $0xFFFF  }
0xc0: {  	[dreg:$0x0] =	wrdreg $0xFFFFFFFF;
	(pc) =	sbr.abs _section_cstart, $3  }
0xc1: {  	[dreg:$0x1] =	wrdreg $0xFFFFFFFF  }
0xc2: {  	_ =	task.clear_ibuf [dreg:s7], $0x2FFFF;
	_ =	strace $0x9FFFFFFF  }
0xc3: {  	(tm) =	ssettm $0x7FFFFFFF  }
tec
execute0_lowered:
.L_overlay_start_1:
0x0: {  	(tag) =	ssettag $0x1  }
0x1: {  	s5 =	rddreg [dreg:$0x0]  }
0x2: {  	s4 =	rddreg [dreg:$0x1];
	s1 =	srdreg.scid  }
0x3: {  	s0 =	stileid.u32;
	s2 =	rddreg [dreg:$0x2];
	s3 =	simm.s32 $0x0  }
0x4: {  	s11 =	simm.s32 $0x2800;
	s6 =	sand.u32 $0x1, s1;
	s7 =	smul.u32 $0x278, s0  }
0x5: {  	s12 =	simm.s32 $0x0;
	s1 =	rddreg [dreg:$0x3];
	s8 =	smul.u32 $0x2780, s6  }
0x6: {  	[smem:$0x7FF] =	sst s3;
	s9 =	sshll.u32 s6, $0x4;
	s6 =	ssub.s32 $0x2, s6  }
0x7: {  	_ =	strace $0x80000047;
	s9 =	sor.u32 s0, s9;
	s8 =	sadd.s32 s7, s8  }
0x8: {  	s10 =	sshrl.u32 s6, $0x1;
	s9 =	smul.u32 $0x500, s9;
	s8 =	sshrl.u32 s8, $0x3  }
0x9: {  	s10 =	ssub.s32 s6, s10;
	s8 =	sadd.s32 s8, s4;
	s4 =	sadd.s32 s7, s2  }
0xa: {  	s5 =	sadd.s32 s5, s9;
	s7 =	smax.u32 s10, $0x1;
	s9 =	simm.s32 $0x1  }
0xb: {  	v0 =	vimm.f32 $0.0e+00;
	v1 =	vimm.f32 $1.000000000e+00;
	s10 =	simm.s32 $0x80;
	s6 =	sadd.s32 $0x1800, s8;
	s8 =	simm.s32 $0x2880  }
.LBB2_1:
0xc: {  	[tilespmem:$0x2880] =	vst v0  }
0xd: {  	[tilespmem:$0x2890] =	vst v0  }
0xe: {  	[tilespmem:$0x28A0] =	vst v0  }
0xf: {  	[tilespmem:$0x28B0] =	vst v0  }
0x10: {  	[tilespmem:$0x28C0] =	vst v0  }
0x11: {  	[tilespmem:$0x28D0] =	vst v0  }
0x12: {  	[tilespmem:$0x28E0] =	vst v0  }
0x13: {  	[tilespmem:$0x28F0] =	vst v0  }
0x14: {  	[tilespmem:$0x2900] =	vst v0  }
0x15: {  	[tilespmem:$0x2910] =	vst v0  }
0x16: {  	[tilespmem:$0x2920] =	vst v0  }
0x17: {  	[tilespmem:$0x2930] =	vst v0  }
0x18: {  	[tilespmem:$0x2940] =	vst v0  }
0x19: {  	[tilespmem:$0x2950] =	vst v0  }
0x1a: {  	[tilespmem:$0x2960] =	vst v0  }
0x1b: {  	[tilespmem:$0x2970] =	vst v0  }
0x1c: {  	[tilespmem:$0x2980] =	vst v0  }
0x1d: {  	[tilespmem:$0x2990] =	vst v0  }
0x1e: {  	[tilespmem:$0x29A0] =	vst v0  }
0x1f: {  	[tilespmem:$0x29B0] =	vst v0  }
0x20: {  	[tilespmem:$0x29C0] =	vst v0  }
0x21: {  	[tilespmem:$0x29D0] =	vst v0  }
0x22: {  	[tilespmem:$0x29E0] =	vst v0  }
0x23: {  	[tilespmem:$0x29F0] =	vst v0  }
0x24: {  	[tilespmem:$0x2A00] =	vst v0  }
0x25: {  	[tilespmem:$0x2A10] =	vst v0  }
0x26: {  	[tilespmem:$0x2A20] =	vst v0  }
0x27: {  	[tilespmem:$0x2A30] =	vst v0  }
0x28: {  	[tilespmem:$0x2A40] =	vst v0  }
0x29: {  	[tilespmem:$0x2A50] =	vst v0  }
0x2a: {  	[tilespmem:$0x2A60] =	vst v0  }
0x2b: {  	[tilespmem:$0x2A70] =	vst v0  }
0x2c: {  	[tilespmem:$0x2A80] =	vst v0  }
0x2d: {  	[tilespmem:$0x2A90] =	vst v0  }
0x2e: {  	[tilespmem:$0x2AA0] =	vst v0  }
0x2f: {  	[tilespmem:$0x2AB0] =	vst v0  }
0x30: {  	[tilespmem:$0x2AC0] =	vst v0  }
0x31: {  	[tilespmem:$0x2AD0] =	vst v0  }
0x32: {  	[tilespmem:$0x2AE0] =	vst v0  }
0x33: {  	[tilespmem:$0x2AF0] =	vst v0  }
0x34: {  	[spmem:s4] =	stream.linear.scatter [tilespmem:s8], [sflag:$0x1], $0x278, $0x38;
	[tilespmem:$0x2D78] =	vst v63  }
0x35: {  	_ =	swait.ge [sflag:s9], $0x278  }
0x36: {  	[sflag:s9] =	ssyncset.done $0x0  }
0x37: {  	[sflag:s9] =	ssyncadd.s32 $0xFFFFFD88  }
0x38: {  	[tilespmem:$0x2800] =	vst v1  }
0x39: {  	[tilespmem:$0x2810] =	vst v1  }
0x3a: {  	[tilespmem:$0x2820] =	vst v1  }
0x3b: {  	[tilespmem:$0x2830] =	vst v1  }
0x3c: {  	[tilespmem:$0x2840] =	vst v1  }
0x3d: {  	[tilespmem:$0x2850] =	vst v1  }
0x3e: {  	[tilespmem:$0x2860] =	vst v1  }
0x3f: {  	[tilespmem:$0x2870] =	vst v1  }
0x40: {  	[tilespmem:s3], [sflag:$0x1] =	stream.linear.gather [hbm4b:s5+s3], $0x2800, $0x38;
	[tilespmem:$0x2D78] =	vst v63  }
0x41: {  	_ =	swait.ge [sflag:s9], $0x2800  }
0x42: {  	[sflag:s9] =	ssyncset.done $0x0  }
0x43: {  	[sflag:s9] =	ssyncadd.s32 $0xFFFFD800  }
0x44: {  	s13 =	simm.s32 $0x0;
	[bflag:$0x0] =	sbarrier.arrive $0xFFFF  }
0x45: {  	[spmem:s2] =	stream.indirect.scatter.add.f32 [tilespmem:s11], [sflag:$0x1], $0x1, s13, s10, $0xb8;
	[tilespmem:$0x2D78] =	vst v63  }
0x46: {  	_ =	swait.ge [sflag:s9], $0x80  }
0x47: {  	s13 =	simm.s32 $0x200;
	[sflag:s9] =	ssyncset.done $0x0  }
.LBB2_2:
0x48: {  	s14 =	sshra.s32 s13, $0x2;
	[sflag:s9] =	ssyncadd.s32 $0xFFFFFF80;
	p0 =	sne.s32 s13, $0x9E00  }
0x49: {  	[spmem:s2] =	stream.indirect.scatter.add.f32 [tilespmem:s11], [sflag:$0x1], $0x1, s14, s10, $0xb8;
	[tilespmem:$0x2D78] =	vst v63  }
.Ltmp0:
0x4a: {  	_ = 	snop;
	(pc) =	sbr.rel @p0 .LBB2_2-.Ltmp0, $4  }
0x4b: {  	_ = 	snop  }
0x4c: {  	s13 =	sadd.s32 $0x200, s13  }
0x4d: {  	_ =	swait.ge [sflag:s9], $0x80  }
0x4e: {  	[sflag:s9] =	ssyncset.done $0x0  }
0x4f: {  	[sflag:s9] =	ssyncadd.s32 $0xFFFFFF80  }
0x50: {  	[bflag:$0x0] =	sbarrier.arrive $0xFFFF  }
0x51: {  	[tilespmem:s8], [sflag:$0x1] =	stream.linear.gather [spmem:s4], $0x278, $0x38;
	[tilespmem:$0x2D78] =	vst v63  }
0x52: {  	s12 =	sadd.s32 $0x1, s12;
	_ =	swait.ge [sflag:s9], $0x278  }
0x53: {  	p0 =	sne.s32 s12, s7;
	[sflag:s9] =	ssyncset.done $0x0  }
.Ltmp1:
0x54: {  	[sflag:s9] =	ssyncadd.s32 $0xFFFFFD88;
	(pc) =	sbr.rel @p0 .LBB2_1-.Ltmp1, $4  }
0x55: {  	[hbm4b:s6+s3] =	stream.linear.scatter [tilespmem:s8], [sflag:$0x1], $0x278, $0x38;
	[tilespmem:$0x2D78] =	vst v63  }
0x56: {  	_ =	swait.ge [sflag:s9], $0x278  }
0x57: {  	[sflag:s9] =	ssyncset.done $0x0  }
0x58: {  	[sflag:s9] =	ssyncadd.s32 $0xFFFFFD88  }
0x59: {  	_ =	sfence.sel $0x180000  }
0x5a: {  	[bflag:$0x0] =	sbarrier.arrive $0xFFFF  }
0x5b: {  	p0 =	sne.s32 s0, $0x0;
	_ =	strace $0x90000047  }
0x5c: {  	s0 =	sadd.s32 @!p0 $0x100000, s1;
	[bflag:$0x2] =	sbarrier.arrive $0xFFFF  }
0x5d: {  	[sflag:s0] =	ssyncadd.tile.s32 @!p0 $0x1;
	_ =	shalt  }
.Lfunc_end2:
_tile_overlayer_lowered:
.L_overlay_start_2:
0x5e: {  	(tag) =	ssettag $0x2  }
0x5f: {  	s0 =	rddreg [dreg:$0x0];
	s2 =	stileid.u32  }
0x60: {  	s1 =	rddreg [dreg:$0x1];
	p0 =	sne.s32 s2, $0x0  }
0x61: {  	s3 =	rddreg [dreg:$0x2];
	[bflag:$0x3] =	sbarrier.arrive $0xFFFF;
	s2 =	simm.s32 @!p0 $0x1C01  }
0x62: {  	[timem:s3], [sflag:s2] =	dma.local @!p0 [hbm:s0], s1  }
0x63: {  	s0 =	simm.s32 @!p0 $0x1  }
0x64: {  	_ =	swait.ge @!p0 [sflag:s0], s1  }
0x65: {  	s1 =	ssub.s32 @!p0 $0x0, s1;
	[sflag:s0] =	ssyncset.done @!p0 $0x0  }
0x66: {  	[sflag:s0] =	ssyncadd.s32 @!p0 s1  }
0x67: {  	[bflag:$0x3] =	sbarrier.arrive $0xFFFF  }
0x68: {  	_ =	shalt  }

</sc_bundles>
